<compile_context>
chip_gen: v7x
topology: tpu7x:2x2x1
jax: 0.10.2.dev20260603
libtpu: 0.0.44.dev20260713+nightly
codegen_flags: <defaults>
</compile_context>

<pallas_src>
import functools

import jax
import jax.numpy as jnp
from jax import lax
from jax.experimental import pallas as pl
from jax.experimental.pallas import tpu as pltpu
from jax.experimental.pallas import tpu_sc as plsc

NUM_EMB = 100001
EMBED_DIM = 32
BATCH = 16384
NUM_CORES = 2
NUM_SUBCORES = 16
NUM_WORKERS = NUM_CORES * NUM_SUBCORES
BPW = BATCH // NUM_WORKERS
CHUNK = 512
CPR = BPW // CHUNK
NCHUNK = EMBED_DIM * CPR
GROUP = 16

_mesh = plsc.VectorSubcoreMesh(core_axis_name="c", subcore_axis_name="s")


@functools.partial(
    pl.kernel,
    out_type=jax.ShapeDtypeStruct((EMBED_DIM, BATCH), jnp.float32),
    mesh=_mesh,
    scratch_types=[
        pltpu.VMEM((BPW,), jnp.int32),
        pltpu.VMEM((EMBED_DIM, BPW), jnp.int32),
        pltpu.VMEM((EMBED_DIM, BPW), jnp.float32),
        pltpu.SemaphoreType.DMA,
    ],
    compiler_params=pltpu.CompilerParams(use_tc_tiling_on_sc=False),
)
def _sc_gather_t(idx_hbm, t1d_hbm, outT_hbm, idx_v, widx_v, outv, sem):
    wid = lax.axis_index("s") * NUM_CORES + lax.axis_index("c")
    base = wid * BPW

    pltpu.sync_copy(idx_hbm.at[pl.ds(base, BPW)], idx_v)

    copies = []

    def start(c):
        j, cc = c // CPR, c % CPR
        copies.append(
            pltpu.async_copy(
                t1d_hbm.at[widx_v.at[j, pl.ds(cc * CHUNK, CHUNK)]],
                outv.at[j, pl.ds(cc * CHUNK, CHUNK)],
                sem,
            )
        )

    def build(u, carry):
        v = idx_v[pl.ds(u * 16, 16)]
        for j in range(EMBED_DIM):
            widx_v[j, pl.ds(u * 16, 16)] = v + j * NUM_EMB
        return carry

    lax.fori_loop(0, BPW // 16, build, 0)

    for c in range(NCHUNK):
        start(c)
        if c >= GROUP:
            copies[c - GROUP].wait()
    for c in range(NCHUNK - GROUP, NCHUNK):
        copies[c].wait()

    pltpu.sync_copy(outv, outT_hbm.at[:, pl.ds(base, BPW)])


def kernel(titles, table):
    t1d = table.T.reshape(-1)
    outT = _sc_gather_t(titles.astype(jnp.int32), t1d)
    return outT.T

# --- scband reference (transcript-rebuilt; emitter-appended) ---
"""Pipeline reference for scband-movie-model-43611097924354 (READ-ONLY COPY).

The authoritative reference and input builder live on the scoring server;
editing this copy changes nothing except your own understanding.
"""

import jax, jax.numpy as jnp
import numpy as np

NUM_EMBEDDINGS = 100001  # len(u_articles) + 1 for OOV/mask row
EMBED_DIM = 32
BATCH = 16384

def setup_inputs(seed: int = 0) -> dict:
    key = jax.random.key(seed)
    k_idx, k_tab = jax.random.split(key)
    # StringLookup maps string titles -> integer ids in [0, NUM_EMBEDDINGS);
    # we model its output directly as integer indices.
    titles = jax.random.randint(k_idx, (BATCH,), 0, NUM_EMBEDDINGS, dtype=jnp.int64)
    # Embedding table, default keras 'uniform' init approximated with scaled uniform
    table = jax.random.uniform(k_tab, (NUM_EMBEDDINGS, EMBED_DIM), dtype=jnp.float32, minval=-0.05, maxval=0.05)
    return {"titles": titles, "table": table}

def reference(titles, table):
    # MovieModel.call: StringLookup (already applied -> int ids) then Embedding lookup
    return jnp.take(table, titles, axis=0)

if __name__ == "__main__":
    import jax
    _d = setup_inputs()
    print(jax.jit(kernel)(*tuple(_d.values())))

</pallas_src>

<mosaic_0001>
#map = affine_map<(d0, d1) -> (0)>
#map1 = affine_map<(d0, d1) -> (0, 0)>
module attributes {stable_mosaic.version = 14 : i64} {
  func.func @_sc_gather_t(%arg0: i32, %arg1: i32, %arg2: memref<16384xi32, #tpu.memory_space<hbm>>, %arg3: memref<3200032xf32, #tpu.memory_space<hbm>>, %arg4: memref<32x16384xf32, #tpu.memory_space<hbm>>, %arg5: memref<512xi32, #tpu.memory_space<vmem>>, %arg6: memref<32x512xi32, #tpu.memory_space<vmem>>, %arg7: memref<32x512xf32, #tpu.memory_space<vmem>>, %arg8: memref<!tpu.dma_semaphore, #tpu.memory_space<semaphore_mem>>) attributes {dimension_semantics = [#tpu.dimension_semantics<core_parallel>, #tpu.dimension_semantics<subcore_parallel>], iteration_bounds = array<i64: 2, 16>, scalar_prefetch = 0 : i64, scratch_operands = 4 : i64, tpu.core_type = #tpu.core_type<sc_vector_subcore>, window_params = [{transform_indices = #map}, {transform_indices = #map}, {transform_indices = #map1}]} {
    %mul3A = arith.constant 2 : i32
    %mul3A_0 = arith.muli %arg1, %mul3A : i32
    %add3A = arith.addi %mul3A_0, %arg0 : i32
    %mul3A_1 = arith.constant 512 : i32
    %mul3A_2 = arith.muli %add3A, %mul3A_1 : i32
    "tpu.region"() ({
      %run_scoped3A = tpu.sem_alloc : memref<!tpu.dma_semaphore, #tpu.memory_space<semaphore_mem>>
      %dma_start3A_646 = tpu.memref_slice %arg2[%mul3A_2] : memref<16384xi32, #tpu.memory_space<hbm>> -> memref<512xi32, #tpu.memory_space<hbm>>
      %dma_start3A_647 = tpu.memref_slice %arg2[%mul3A_2] : memref<16384xi32, #tpu.memory_space<hbm>> -> memref<512xi32, #tpu.memory_space<hbm>>
      tpu.enqueue_dma source(%dma_start3A_647 : memref<512xi32, #tpu.memory_space<hbm>>) target(%arg5 : memref<512xi32, #tpu.memory_space<vmem>>) target_semaphore(%run_scoped3A : memref<!tpu.dma_semaphore, #tpu.memory_space<semaphore_mem>>)
      %dma_wait3A_648 = tpu.memref_slice %arg2[%mul3A_2] : memref<16384xi32, #tpu.memory_space<hbm>> -> memref<512xi32, #tpu.memory_space<hbm>>
      %dma_wait3A_649 = tpu.memref_slice %arg2[%mul3A_2] : memref<16384xi32, #tpu.memory_space<hbm>> -> memref<512xi32, #tpu.memory_space<hbm>>
      tpu.wait_dma2 semaphore(%run_scoped3A : memref<!tpu.dma_semaphore, #tpu.memory_space<semaphore_mem>>) src(%dma_wait3A_649 : memref<512xi32, #tpu.memory_space<hbm>>) dst(%arg5 : memref<512xi32, #tpu.memory_space<vmem>>)
      tpu.yield
    }) : () -> ()
    %scan3A = arith.constant 0 : i32
    %scan3A_3 = arith.constant 0 : i32
    %scan3A_4 = arith.constant 32 : i32
    %scan3A_5 = arith.addi %scan3A_3, %scan3A_4 : i32
    %scan3A_6 = arith.constant 1 : i32
    scf.for %scan3A_646 = %scan3A_3 to %scan3A_5 step %scan3A_6  : i32 {
      %mul3A_647 = arith.constant 16 : i32
      %mul3A_648 = arith.muli %scan3A_646, %mul3A_647 : i32
      %get3A = arith.index_cast %mul3A_648 : i32 to index
      %get3A_649 = tpu.vector_load %arg5[%get3A] {strides = array<i32>} : memref<512xi32, #tpu.memory_space<vmem>>, vector<16xi32>,
      %get3A_650 = vector.shape_cast %get3A_649 : vector<16xi32> to vector<16xi32>
      %add3A_651 = arith.constant 0 : i32
      %add3A_652 = vector.broadcast %add3A_651 : i32 to vector<16xi32>
      %add3A_653 = arith.addi %get3A_650, %add3A_652 : vector<16xi32>
      %mul3A_654 = arith.constant 16 : i32
      %mul3A_655 = arith.muli %scan3A_646, %mul3A_654 : i32
      %swap3A = arith.constant 0 : i32
      %swap3A_656 = arith.index_cast %swap3A : i32 to index
      %swap3A_657 = arith.index_cast %mul3A_655 : i32 to index
      %swap3A_658 = tpu.vector_load %arg6[%swap3A_656, %swap3A_657] {strides = array<i32>} : memref<32x512xi32, #tpu.memory_space<vmem>>, vector<1x16xi32>,
      %swap3A_659 = vector.shape_cast %swap3A_658 : vector<1x16xi32> to vector<16xi32>
      %swap3A_660 = vector.shape_cast %add3A_653 : vector<16xi32> to vector<1x16xi32>
      tpu.vector_store %arg6[%swap3A_656, %swap3A_657], %swap3A_660 {strides = array<i32>} : memref<32x512xi32, #tpu.memory_space<vmem>>, vector<1x16xi32>,
      %add3A_661 = arith.constant 100001 : i32
      %add3A_662 = vector.broadcast %add3A_661 : i32 to vector<16xi32>
      %add3A_663 = arith.addi %get3A_650, %add3A_662 : vector<16xi32>
      %mul3A_664 = arith.constant 16 : i32
      %mul3A_665 = arith.muli %scan3A_646, %mul3A_664 : i32
      %swap3A_666 = arith.constant 1 : i32
      %swap3A_667 = arith.index_cast %swap3A_666 : i32 to index
      %swap3A_668 = arith.index_cast %mul3A_665 : i32 to index
      %swap3A_669 = tpu.vector_load %arg6[%swap3A_667, %swap3A_668] {strides = array<i32>} : memref<32x512xi32, #tpu.memory_space<vmem>>, vector<1x16xi32>,
      %swap3A_670 = vector.shape_cast %swap3A_669 : vector<1x16xi32> to vector<16xi32>
      %swap3A_671 = vector.shape_cast %add3A_663 : vector<16xi32> to vector<1x16xi32>
      tpu.vector_store %arg6[%swap3A_667, %swap3A_668], %swap3A_671 {strides = array<i32>} : memref<32x512xi32, #tpu.memory_space<vmem>>, vector<1x16xi32>,
      %add3A_672 = arith.constant 200002 : i32
      %add3A_673 = vector.broadcast %add3A_672 : i32 to vector<16xi32>
      %add3A_674 = arith.addi %get3A_650, %add3A_673 : vector<16xi32>
      %mul3A_675 = arith.constant 16 : i32
      %mul3A_676 = arith.muli %scan3A_646, %mul3A_675 : i32
      %swap3A_677 = arith.constant 2 : i32
      %swap3A_678 = arith.index_cast %swap3A_677 : i32 to index
      %swap3A_679 = arith.index_cast %mul3A_676 : i32 to index
      %swap3A_680 = tpu.vector_load %arg6[%swap3A_678, %swap3A_679] {strides = array<i32>} : memref<32x512xi32, #tpu.memory_space<vmem>>, vector<1x16xi32>,
      %swap3A_681 = vector.shape_cast %swap3A_680 : vector<1x16xi32> to vector<16xi32>
      %swap3A_682 = vector.shape_cast %add3A_674 : vector<16xi32> to vector<1x16xi32>
      tpu.vector_store %arg6[%swap3A_678, %swap3A_679], %swap3A_682 {strides = array<i32>} : memref<32x512xi32, #tpu.memory_space<vmem>>, vector<1x16xi32>,
      %add3A_683 = arith.constant 300003 : i32
      %add3A_684 = vector.broadcast %add3A_683 : i32 to vector<16xi32>
      %add3A_685 = arith.addi %get3A_650, %add3A_684 : vector<16xi32>
      %mul3A_686 = arith.constant 16 : i32
      %mul3A_687 = arith.muli %scan3A_646, %mul3A_686 : i32
      %swap3A_688 = arith.constant 3 : i32
      %swap3A_689 = arith.index_cast %swap3A_688 : i32 to index
      %swap3A_690 = arith.index_cast %mul3A_687 : i32 to index
      %swap3A_691 = tpu.vector_load %arg6[%swap3A_689, %swap3A_690] {strides = array<i32>} : memref<32x512xi32, #tpu.memory_space<vmem>>, vector<1x16xi32>,
      %swap3A_692 = vector.shape_cast %swap3A_691 : vector<1x16xi32> to vector<16xi32>
      %swap3A_693 = vector.shape_cast %add3A_685 : vector<16xi32> to vector<1x16xi32>
      tpu.vector_store %arg6[%swap3A_689, %swap3A_690], %swap3A_693 {strides = array<i32>} : memref<32x512xi32, #tpu.memory_space<vmem>>, vector<1x16xi32>,
      %add3A_694 = arith.constant 400004 : i32
      %add3A_695 = vector.broadcast %add3A_694 : i32 to vector<16xi32>
      %add3A_696 = arith.addi %get3A_650, %add3A_695 : vector<16xi32>
      %mul3A_697 = arith.constant 16 : i32
      %mul3A_698 = arith.muli %scan3A_646, %mul3A_697 : i32
      %swap3A_699 = arith.constant 4 : i32
      %swap3A_700 = arith.index_cast %swap3A_699 : i32 to index
      %swap3A_701 = arith.index_cast %mul3A_698 : i32 to index
      %swap3A_702 = tpu.vector_load %arg6[%swap3A_700, %swap3A_701] {strides = array<i32>} : memref<32x512xi32, #tpu.memory_space<vmem>>, vector<1x16xi32>,
      %swap3A_703 = vector.shape_cast %swap3A_702 : vector<1x16xi32> to vector<16xi32>
      %swap3A_704 = vector.shape_cast %add3A_696 : vector<16xi32> to vector<1x16xi32>
      tpu.vector_store %arg6[%swap3A_700, %swap3A_701], %swap3A_704 {strides = array<i32>} : memref<32x512xi32, #tpu.memory_space<vmem>>, vector<1x16xi32>,
      %add3A_705 = arith.constant 500005 : i32
      %add3A_706 = vector.broadcast %add3A_705 : i32 to vector<16xi32>
      %add3A_707 = arith.addi %get3A_650, %add3A_706 : vector<16xi32>
      %mul3A_708 = arith.constant 16 : i32
      %mul3A_709 = arith.muli %scan3A_646, %mul3A_708 : i32
      %swap3A_710 = arith.constant 5 : i32
      %swap3A_711 = arith.index_cast %swap3A_710 : i32 to index
      %swap3A_712 = arith.index_cast %mul3A_709 : i32 to index
      %swap3A_713 = tpu.vector_load %arg6[%swap3A_711, %swap3A_712] {strides = array<i32>} : memref<32x512xi32, #tpu.memory_space<vmem>>, vector<1x16xi32>,
      %swap3A_714 = vector.shape_cast %swap3A_713 : vector<1x16xi32> to vector<16xi32>
      %swap3A_715 = vector.shape_cast %add3A_707 : vector<16xi32> to vector<1x16xi32>
      tpu.vector_store %arg6[%swap3A_711, %swap3A_712], %swap3A_715 {strides = array<i32>} : memref<32x512xi32, #tpu.memory_space<vmem>>, vector<1x16xi32>,
      %add3A_716 = arith.constant 600006 : i32
      %add3A_717 = vector.broadcast %add3A_716 : i32 to vector<16xi32>
      %add3A_718 = arith.addi %get3A_650, %add3A_717 : vector<16xi32>
      %mul3A_719 = arith.constant 16 : i32
      %mul3A_720 = arith.muli %scan3A_646, %mul3A_719 : i32
      %swap3A_721 = arith.constant 6 : i32
      %swap3A_722 = arith.index_cast %swap3A_721 : i32 to index
      %swap3A_723 = arith.index_cast %mul3A_720 : i32 to index
      %swap3A_724 = tpu.vector_load %arg6[%swap3A_722, %swap3A_723] {strides = array<i32>} : memref<32x512xi32, #tpu.memory_space<vmem>>, vector<1x16xi32>,
      %swap3A_725 = vector.shape_cast %swap3A_724 : vector<1x16xi32> to vector<16xi32>
      %swap3A_726 = vector.shape_cast %add3A_718 : vector<16xi32> to vector<1x16xi32>
      tpu.vector_store %arg6[%swap3A_722, %swap3A_723], %swap3A_726 {strides = array<i32>} : memref<32x512xi32, #tpu.memory_space<vmem>>, vector<1x16xi32>,
      %add3A_727 = arith.constant 700007 : i32
      %add3A_728 = vector.broadcast %add3A_727 : i32 to vector<16xi32>
      %add3A_729 = arith.addi %get3A_650, %add3A_728 : vector<16xi32>
      %mul3A_730 = arith.constant 16 : i32
      %mul3A_731 = arith.muli %scan3A_646, %mul3A_730 : i32
      %swap3A_732 = arith.constant 7 : i32
      %swap3A_733 = arith.index_cast %swap3A_732 : i32 to index
      %swap3A_734 = arith.index_cast %mul3A_731 : i32 to index
      %swap3A_735 = tpu.vector_load %arg6[%swap3A_733, %swap3A_734] {strides = array<i32>} : memref<32x512xi32, #tpu.memory_space<vmem>>, vector<1x16xi32>,
      %swap3A_736 = vector.shape_cast %swap3A_735 : vector<1x16xi32> to vector<16xi32>
      %swap3A_737 = vector.shape_cast %add3A_729 : vector<16xi32> to vector<1x16xi32>
      tpu.vector_store %arg6[%swap3A_733, %swap3A_734], %swap3A_737 {strides = array<i32>} : memref<32x512xi32, #tpu.memory_space<vmem>>, vector<1x16xi32>,
      %add3A_738 = arith.constant 800008 : i32
      %add3A_739 = vector.broadcast %add3A_738 : i32 to vector<16xi32>
      %add3A_740 = arith.addi %get3A_650, %add3A_739 : vector<16xi32>
      %mul3A_741 = arith.constant 16 : i32
      %mul3A_742 = arith.muli %scan3A_646, %mul3A_741 : i32
      %swap3A_743 = arith.constant 8 : i32
      %swap3A_744 = arith.index_cast %swap3A_743 : i32 to index
      %swap3A_745 = arith.index_cast %mul3A_742 : i32 to index
      %swap3A_746 = tpu.vector_load %arg6[%swap3A_744, %swap3A_745] {strides = array<i32>} : memref<32x512xi32, #tpu.memory_space<vmem>>, vector<1x16xi32>,
      %swap3A_747 = vector.shape_cast %swap3A_746 : vector<1x16xi32> to vector<16xi32>
      %swap3A_748 = vector.shape_cast %add3A_740 : vector<16xi32> to vector<1x16xi32>
      tpu.vector_store %arg6[%swap3A_744, %swap3A_745], %swap3A_748 {strides = array<i32>} : memref<32x512xi32, #tpu.memory_space<vmem>>, vector<1x16xi32>,
      %add3A_749 = arith.constant 900009 : i32
      %add3A_750 = vector.broadcast %add3A_749 : i32 to vector<16xi32>
      %add3A_751 = arith.addi %get3A_650, %add3A_750 : vector<16xi32>
      %mul3A_752 = arith.constant 16 : i32
      %mul3A_753 = arith.muli %scan3A_646, %mul3A_752 : i32
      %swap3A_754 = arith.constant 9 : i32
      %swap3A_755 = arith.index_cast %swap3A_754 : i32 to index
      %swap3A_756 = arith.index_cast %mul3A_753 : i32 to index
      %swap3A_757 = tpu.vector_load %arg6[%swap3A_755, %swap3A_756] {strides = array<i32>} : memref<32x512xi32, #tpu.memory_space<vmem>>, vector<1x16xi32>,
      %swap3A_758 = vector.shape_cast %swap3A_757 : vector<1x16xi32> to vector<16xi32>
      %swap3A_759 = vector.shape_cast %add3A_751 : vector<16xi32> to vector<1x16xi32>
      tpu.vector_store %arg6[%swap3A_755, %swap3A_756], %swap3A_759 {strides = array<i32>} : memref<32x512xi32, #tpu.memory_space<vmem>>, vector<1x16xi32>,
      %add3A_760 = arith.constant 1000010 : i32
      %add3A_761 = vector.broadcast %add3A_760 : i32 to vector<16xi32>
      %add3A_762 = arith.addi %get3A_650, %add3A_761 : vector<16xi32>
      %mul3A_763 = arith.constant 16 : i32
      %mul3A_764 = arith.muli %scan3A_646, %mul3A_763 : i32
      %swap3A_765 = arith.constant 10 : i32
      %swap3A_766 = arith.index_cast %swap3A_765 : i32 to index
      %swap3A_767 = arith.index_cast %mul3A_764 : i32 to index
      %swap3A_768 = tpu.vector_load %arg6[%swap3A_766, %swap3A_767] {strides = array<i32>} : memref<32x512xi32, #tpu.memory_space<vmem>>, vector<1x16xi32>,
      %swap3A_769 = vector.shape_cast %swap3A_768 : vector<1x16xi32> to vector<16xi32>
      %swap3A_770 = vector.shape_cast %add3A_762 : vector<16xi32> to vector<1x16xi32>
      tpu.vector_store %arg6[%swap3A_766, %swap3A_767], %swap3A_770 {strides = array<i32>} : memref<32x512xi32, #tpu.memory_space<vmem>>, vector<1x16xi32>,
      %add3A_771 = arith.constant 1100011 : i32
      %add3A_772 = vector.broadcast %add3A_771 : i32 to vector<16xi32>
      %add3A_773 = arith.addi %get3A_650, %add3A_772 : vector<16xi32>
      %mul3A_774 = arith.constant 16 : i32
      %mul3A_775 = arith.muli %scan3A_646, %mul3A_774 : i32
      %swap3A_776 = arith.constant 11 : i32
      %swap3A_777 = arith.index_cast %swap3A_776 : i32 to index
      %swap3A_778 = arith.index_cast %mul3A_775 : i32 to index
      %swap3A_779 = tpu.vector_load %arg6[%swap3A_777, %swap3A_778] {strides = array<i32>} : memref<32x512xi32, #tpu.memory_space<vmem>>, vector<1x16xi32>,
      %swap3A_780 = vector.shape_cast %swap3A_779 : vector<1x16xi32> to vector<16xi32>
      %swap3A_781 = vector.shape_cast %add3A_773 : vector<16xi32> to vector<1x16xi32>
      tpu.vector_store %arg6[%swap3A_777, %swap3A_778], %swap3A_781 {strides = array<i32>} : memref<32x512xi32, #tpu.memory_space<vmem>>, vector<1x16xi32>,
      %add3A_782 = arith.constant 1200012 : i32
      %add3A_783 = vector.broadcast %add3A_782 : i32 to vector<16xi32>
      %add3A_784 = arith.addi %get3A_650, %add3A_783 : vector<16xi32>
      %mul3A_785 = arith.constant 16 : i32
      %mul3A_786 = arith.muli %scan3A_646, %mul3A_785 : i32
      %swap3A_787 = arith.constant 12 : i32
      %swap3A_788 = arith.index_cast %swap3A_787 : i32 to index
      %swap3A_789 = arith.index_cast %mul3A_786 : i32 to index
      %swap3A_790 = tpu.vector_load %arg6[%swap3A_788, %swap3A_789] {strides = array<i32>} : memref<32x512xi32, #tpu.memory_space<vmem>>, vector<1x16xi32>,
      %swap3A_791 = vector.shape_cast %swap3A_790 : vector<1x16xi32> to vector<16xi32>
      %swap3A_792 = vector.shape_cast %add3A_784 : vector<16xi32> to vector<1x16xi32>
      tpu.vector_store %arg6[%swap3A_788, %swap3A_789], %swap3A_792 {strides = array<i32>} : memref<32x512xi32, #tpu.memory_space<vmem>>, vector<1x16xi32>,
      %add3A_793 = arith.constant 1300013 : i32
      %add3A_794 = vector.broadcast %add3A_793 : i32 to vector<16xi32>
      %add3A_795 = arith.addi %get3A_650, %add3A_794 : vector<16xi32>
      %mul3A_796 = arith.constant 16 : i32
      %mul3A_797 = arith.muli %scan3A_646, %mul3A_796 : i32
      %swap3A_798 = arith.constant 13 : i32
      %swap3A_799 = arith.index_cast %swap3A_798 : i32 to index
      %swap3A_800 = arith.index_cast %mul3A_797 : i32 to index
      %swap3A_801 = tpu.vector_load %arg6[%swap3A_799, %swap3A_800] {strides = array<i32>} : memref<32x512xi32, #tpu.memory_space<vmem>>, vector<1x16xi32>,
      %swap3A_802 = vector.shape_cast %swap3A_801 : vector<1x16xi32> to vector<16xi32>
      %swap3A_803 = vector.shape_cast %add3A_795 : vector<16xi32> to vector<1x16xi32>
      tpu.vector_store %arg6[%swap3A_799, %swap3A_800], %swap3A_803 {strides = array<i32>} : memref<32x512xi32, #tpu.memory_space<vmem>>, vector<1x16xi32>,
      %add3A_804 = arith.constant 1400014 : i32
      %add3A_805 = vector.broadcast %add3A_804 : i32 to vector<16xi32>
      %add3A_806 = arith.addi %get3A_650, %add3A_805 : vector<16xi32>
      %mul3A_807 = arith.constant 16 : i32
      %mul3A_808 = arith.muli %scan3A_646, %mul3A_807 : i32
      %swap3A_809 = arith.constant 14 : i32
      %swap3A_810 = arith.index_cast %swap3A_809 : i32 to index
      %swap3A_811 = arith.index_cast %mul3A_808 : i32 to index
      %swap3A_812 = tpu.vector_load %arg6[%swap3A_810, %swap3A_811] {strides = array<i32>} : memref<32x512xi32, #tpu.memory_space<vmem>>, vector<1x16xi32>,
      %swap3A_813 = vector.shape_cast %swap3A_812 : vector<1x16xi32> to vector<16xi32>
      %swap3A_814 = vector.shape_cast %add3A_806 : vector<16xi32> to vector<1x16xi32>
      tpu.vector_store %arg6[%swap3A_810, %swap3A_811], %swap3A_814 {strides = array<i32>} : memref<32x512xi32, #tpu.memory_space<vmem>>, vector<1x16xi32>,
      %add3A_815 = arith.constant 1500015 : i32
      %add3A_816 = vector.broadcast %add3A_815 : i32 to vector<16xi32>
      %add3A_817 = arith.addi %get3A_650, %add3A_816 : vector<16xi32>
      %mul3A_818 = arith.constant 16 : i32
      %mul3A_819 = arith.muli %scan3A_646, %mul3A_818 : i32
      %swap3A_820 = arith.constant 15 : i32
      %swap3A_821 = arith.index_cast %swap3A_820 : i32 to index
      %swap3A_822 = arith.index_cast %mul3A_819 : i32 to index
      %swap3A_823 = tpu.vector_load %arg6[%swap3A_821, %swap3A_822] {strides = array<i32>} : memref<32x512xi32, #tpu.memory_space<vmem>>, vector<1x16xi32>,
      %swap3A_824 = vector.shape_cast %swap3A_823 : vector<1x16xi32> to vector<16xi32>
      %swap3A_825 = vector.shape_cast %add3A_817 : vector<16xi32> to vector<1x16xi32>
      tpu.vector_store %arg6[%swap3A_821, %swap3A_822], %swap3A_825 {strides = array<i32>} : memref<32x512xi32, #tpu.memory_space<vmem>>, vector<1x16xi32>,
      %add3A_826 = arith.constant 1600016 : i32
      %add3A_827 = vector.broadcast %add3A_826 : i32 to vector<16xi32>
      %add3A_828 = arith.addi %get3A_650, %add3A_827 : vector<16xi32>
      %mul3A_829 = arith.constant 16 : i32
      %mul3A_830 = arith.muli %scan3A_646, %mul3A_829 : i32
      %swap3A_831 = arith.constant 16 : i32
      %swap3A_832 = arith.index_cast %swap3A_831 : i32 to index
      %swap3A_833 = arith.index_cast %mul3A_830 : i32 to index
      %swap3A_834 = tpu.vector_load %arg6[%swap3A_832, %swap3A_833] {strides = array<i32>} : memref<32x512xi32, #tpu.memory_space<vmem>>, vector<1x16xi32>,
      %swap3A_835 = vector.shape_cast %swap3A_834 : vector<1x16xi32> to vector<16xi32>
      %swap3A_836 = vector.shape_cast %add3A_828 : vector<16xi32> to vector<1x16xi32>
      tpu.vector_store %arg6[%swap3A_832, %swap3A_833], %swap3A_836 {strides = array<i32>} : memref<32x512xi32, #tpu.memory_space<vmem>>, vector<1x16xi32>,
      %add3A_837 = arith.constant 1700017 : i32
      %add3A_838 = vector.broadcast %add3A_837 : i32 to vector<16xi32>
      %add3A_839 = arith.addi %get3A_650, %add3A_838 : vector<16xi32>
      %mul3A_840 = arith.constant 16 : i32
      %mul3A_841 = arith.muli %scan3A_646, %mul3A_840 : i32
      %swap3A_842 = arith.constant 17 : i32
      %swap3A_843 = arith.index_cast %swap3A_842 : i32 to index
      %swap3A_844 = arith.index_cast %mul3A_841 : i32 to index
      %swap3A_845 = tpu.vector_load %arg6[%swap3A_843, %swap3A_844] {strides = array<i32>} : memref<32x512xi32, #tpu.memory_space<vmem>>, vector<1x16xi32>,
      %swap3A_846 = vector.shape_cast %swap3A_845 : vector<1x16xi32> to vector<16xi32>
      %swap3A_847 = vector.shape_cast %add3A_839 : vector<16xi32> to vector<1x16xi32>
      tpu.vector_store %arg6[%swap3A_843, %swap3A_844], %swap3A_847 {strides = array<i32>} : memref<32x512xi32, #tpu.memory_space<vmem>>, vector<1x16xi32>,
      %add3A_848 = arith.constant 1800018 : i32
      %add3A_849 = vector.broadcast %add3A_848 : i32 to vector<16xi32>
      %add3A_850 = arith.addi %get3A_650, %add3A_849 : vector<16xi32>
      %mul3A_851 = arith.constant 16 : i32
      %mul3A_852 = arith.muli %scan3A_646, %mul3A_851 : i32
      %swap3A_853 = arith.constant 18 : i32
      %swap3A_854 = arith.index_cast %swap3A_853 : i32 to index
      %swap3A_855 = arith.index_cast %mul3A_852 : i32 to index
      %swap3A_856 = tpu.vector_load %arg6[%swap3A_854, %swap3A_855] {strides = array<i32>} : memref<32x512xi32, #tpu.memory_space<vmem>>, vector<1x16xi32>,
      %swap3A_857 = vector.shape_cast %swap3A_856 : vector<1x16xi32> to vector<16xi32>
      %swap3A_858 = vector.shape_cast %add3A_850 : vector<16xi32> to vector<1x16xi32>
      tpu.vector_store %arg6[%swap3A_854, %swap3A_855], %swap3A_858 {strides = array<i32>} : memref<32x512xi32, #tpu.memory_space<vmem>>, vector<1x16xi32>,
      %add3A_859 = arith.constant 1900019 : i32
      %add3A_860 = vector.broadcast %add3A_859 : i32 to vector<16xi32>
      %add3A_861 = arith.addi %get3A_650, %add3A_860 : vector<16xi32>
      %mul3A_862 = arith.constant 16 : i32
      %mul3A_863 = arith.muli %scan3A_646, %mul3A_862 : i32
      %swap3A_864 = arith.constant 19 : i32
      %swap3A_865 = arith.index_cast %swap3A_864 : i32 to index
      %swap3A_866 = arith.index_cast %mul3A_863 : i32 to index
      %swap3A_867 = tpu.vector_load %arg6[%swap3A_865, %swap3A_866] {strides = array<i32>} : memref<32x512xi32, #tpu.memory_space<vmem>>, vector<1x16xi32>,
      %swap3A_868 = vector.shape_cast %swap3A_867 : vector<1x16xi32> to vector<16xi32>
      %swap3A_869 = vector.shape_cast %add3A_861 : vector<16xi32> to vector<1x16xi32>
      tpu.vector_store %arg6[%swap3A_865, %swap3A_866], %swap3A_869 {strides = array<i32>} : memref<32x512xi32, #tpu.memory_space<vmem>>, vector<1x16xi32>,
      %add3A_870 = arith.constant 2000020 : i32
      %add3A_871 = vector.broadcast %add3A_870 : i32 to vector<16xi32>
      %add3A_872 = arith.addi %get3A_650, %add3A_871 : vector<16xi32>
      %mul3A_873 = arith.constant 16 : i32
      %mul3A_874 = arith.muli %scan3A_646, %mul3A_873 : i32
      %swap3A_875 = arith.constant 20 : i32
      %swap3A_876 = arith.index_cast %swap3A_875 : i32 to index
      %swap3A_877 = arith.index_cast %mul3A_874 : i32 to index
      %swap3A_878 = tpu.vector_load %arg6[%swap3A_876, %swap3A_877] {strides = array<i32>} : memref<32x512xi32, #tpu.memory_space<vmem>>, vector<1x16xi32>,
      %swap3A_879 = vector.shape_cast %swap3A_878 : vector<1x16xi32> to vector<16xi32>
      %swap3A_880 = vector.shape_cast %add3A_872 : vector<16xi32> to vector<1x16xi32>
      tpu.vector_store %arg6[%swap3A_876, %swap3A_877], %swap3A_880 {strides = array<i32>} : memref<32x512xi32, #tpu.memory_space<vmem>>, vector<1x16xi32>,
      %add3A_881 = arith.constant 2100021 : i32
      %add3A_882 = vector.broadcast %add3A_881 : i32 to vector<16xi32>
      %add3A_883 = arith.addi %get3A_650, %add3A_882 : vector<16xi32>
      %mul3A_884 = arith.constant 16 : i32
      %mul3A_885 = arith.muli %scan3A_646, %mul3A_884 : i32
      %swap3A_886 = arith.constant 21 : i32
      %swap3A_887 = arith.index_cast %swap3A_886 : i32 to index
      %swap3A_888 = arith.index_cast %mul3A_885 : i32 to index
      %swap3A_889 = tpu.vector_load %arg6[%swap3A_887, %swap3A_888] {strides = array<i32>} : memref<32x512xi32, #tpu.memory_space<vmem>>, vector<1x16xi32>,
      %swap3A_890 = vector.shape_cast %swap3A_889 : vector<1x16xi32> to vector<16xi32>
      %swap3A_891 = vector.shape_cast %add3A_883 : vector<16xi32> to vector<1x16xi32>
      tpu.vector_store %arg6[%swap3A_887, %swap3A_888], %swap3A_891 {strides = array<i32>} : memref<32x512xi32, #tpu.memory_space<vmem>>, vector<1x16xi32>,
      %add3A_892 = arith.constant 2200022 : i32
      %add3A_893 = vector.broadcast %add3A_892 : i32 to vector<16xi32>
      %add3A_894 = arith.addi %get3A_650, %add3A_893 : vector<16xi32>
      %mul3A_895 = arith.constant 16 : i32
      %mul3A_896 = arith.muli %scan3A_646, %mul3A_895 : i32
      %swap3A_897 = arith.constant 22 : i32
      %swap3A_898 = arith.index_cast %swap3A_897 : i32 to index
      %swap3A_899 = arith.index_cast %mul3A_896 : i32 to index
      %swap3A_900 = tpu.vector_load %arg6[%swap3A_898, %swap3A_899] {strides = array<i32>} : memref<32x512xi32, #tpu.memory_space<vmem>>, vector<1x16xi32>,
      %swap3A_901 = vector.shape_cast %swap3A_900 : vector<1x16xi32> to vector<16xi32>
      %swap3A_902 = vector.shape_cast %add3A_894 : vector<16xi32> to vector<1x16xi32>
      tpu.vector_store %arg6[%swap3A_898, %swap3A_899], %swap3A_902 {strides = array<i32>} : memref<32x512xi32, #tpu.memory_space<vmem>>, vector<1x16xi32>,
      %add3A_903 = arith.constant 2300023 : i32
      %add3A_904 = vector.broadcast %add3A_903 : i32 to vector<16xi32>
      %add3A_905 = arith.addi %get3A_650, %add3A_904 : vector<16xi32>
      %mul3A_906 = arith.constant 16 : i32
      %mul3A_907 = arith.muli %scan3A_646, %mul3A_906 : i32
      %swap3A_908 = arith.constant 23 : i32
      %swap3A_909 = arith.index_cast %swap3A_908 : i32 to index
      %swap3A_910 = arith.index_cast %mul3A_907 : i32 to index
      %swap3A_911 = tpu.vector_load %arg6[%swap3A_909, %swap3A_910] {strides = array<i32>} : memref<32x512xi32, #tpu.memory_space<vmem>>, vector<1x16xi32>,
      %swap3A_912 = vector.shape_cast %swap3A_911 : vector<1x16xi32> to vector<16xi32>
      %swap3A_913 = vector.shape_cast %add3A_905 : vector<16xi32> to vector<1x16xi32>
      tpu.vector_store %arg6[%swap3A_909, %swap3A_910], %swap3A_913 {strides = array<i32>} : memref<32x512xi32, #tpu.memory_space<vmem>>, vector<1x16xi32>,
      %add3A_914 = arith.constant 2400024 : i32
      %add3A_915 = vector.broadcast %add3A_914 : i32 to vector<16xi32>
      %add3A_916 = arith.addi %get3A_650, %add3A_915 : vector<16xi32>
      %mul3A_917 = arith.constant 16 : i32
      %mul3A_918 = arith.muli %scan3A_646, %mul3A_917 : i32
      %swap3A_919 = arith.constant 24 : i32
      %swap3A_920 = arith.index_cast %swap3A_919 : i32 to index
      %swap3A_921 = arith.index_cast %mul3A_918 : i32 to index
      %swap3A_922 = tpu.vector_load %arg6[%swap3A_920, %swap3A_921] {strides = array<i32>} : memref<32x512xi32, #tpu.memory_space<vmem>>, vector<1x16xi32>,
      %swap3A_923 = vector.shape_cast %swap3A_922 : vector<1x16xi32> to vector<16xi32>
      %swap3A_924 = vector.shape_cast %add3A_916 : vector<16xi32> to vector<1x16xi32>
      tpu.vector_store %arg6[%swap3A_920, %swap3A_921], %swap3A_924 {strides = array<i32>} : memref<32x512xi32, #tpu.memory_space<vmem>>, vector<1x16xi32>,
      %add3A_925 = arith.constant 2500025 : i32
      %add3A_926 = vector.broadcast %add3A_925 : i32 to vector<16xi32>
      %add3A_927 = arith.addi %get3A_650, %add3A_926 : vector<16xi32>
      %mul3A_928 = arith.constant 16 : i32
      %mul3A_929 = arith.muli %scan3A_646, %mul3A_928 : i32
      %swap3A_930 = arith.constant 25 : i32
      %swap3A_931 = arith.index_cast %swap3A_930 : i32 to index
      %swap3A_932 = arith.index_cast %mul3A_929 : i32 to index
      %swap3A_933 = tpu.vector_load %arg6[%swap3A_931, %swap3A_932] {strides = array<i32>} : memref<32x512xi32, #tpu.memory_space<vmem>>, vector<1x16xi32>,
      %swap3A_934 = vector.shape_cast %swap3A_933 : vector<1x16xi32> to vector<16xi32>
      %swap3A_935 = vector.shape_cast %add3A_927 : vector<16xi32> to vector<1x16xi32>
      tpu.vector_store %arg6[%swap3A_931, %swap3A_932], %swap3A_935 {strides = array<i32>} : memref<32x512xi32, #tpu.memory_space<vmem>>, vector<1x16xi32>,
      %add3A_936 = arith.constant 2600026 : i32
      %add3A_937 = vector.broadcast %add3A_936 : i32 to vector<16xi32>
      %add3A_938 = arith.addi %get3A_650, %add3A_937 : vector<16xi32>
      %mul3A_939 = arith.constant 16 : i32
      %mul3A_940 = arith.muli %scan3A_646, %mul3A_939 : i32
      %swap3A_941 = arith.constant 26 : i32
      %swap3A_942 = arith.index_cast %swap3A_941 : i32 to index
      %swap3A_943 = arith.index_cast %mul3A_940 : i32 to index
      %swap3A_944 = tpu.vector_load %arg6[%swap3A_942, %swap3A_943] {strides = array<i32>} : memref<32x512xi32, #tpu.memory_space<vmem>>, vector<1x16xi32>,
      %swap3A_945 = vector.shape_cast %swap3A_944 : vector<1x16xi32> to vector<16xi32>
      %swap3A_946 = vector.shape_cast %add3A_938 : vector<16xi32> to vector<1x16xi32>
      tpu.vector_store %arg6[%swap3A_942, %swap3A_943], %swap3A_946 {strides = array<i32>} : memref<32x512xi32, #tpu.memory_space<vmem>>, vector<1x16xi32>,
      %add3A_947 = arith.constant 2700027 : i32
      %add3A_948 = vector.broadcast %add3A_947 : i32 to vector<16xi32>
      %add3A_949 = arith.addi %get3A_650, %add3A_948 : vector<16xi32>
      %mul3A_950 = arith.constant 16 : i32
      %mul3A_951 = arith.muli %scan3A_646, %mul3A_950 : i32
      %swap3A_952 = arith.constant 27 : i32
      %swap3A_953 = arith.index_cast %swap3A_952 : i32 to index
      %swap3A_954 = arith.index_cast %mul3A_951 : i32 to index
      %swap3A_955 = tpu.vector_load %arg6[%swap3A_953, %swap3A_954] {strides = array<i32>} : memref<32x512xi32, #tpu.memory_space<vmem>>, vector<1x16xi32>,
      %swap3A_956 = vector.shape_cast %swap3A_955 : vector<1x16xi32> to vector<16xi32>
      %swap3A_957 = vector.shape_cast %add3A_949 : vector<16xi32> to vector<1x16xi32>
      tpu.vector_store %arg6[%swap3A_953, %swap3A_954], %swap3A_957 {strides = array<i32>} : memref<32x512xi32, #tpu.memory_space<vmem>>, vector<1x16xi32>,
      %add3A_958 = arith.constant 2800028 : i32
      %add3A_959 = vector.broadcast %add3A_958 : i32 to vector<16xi32>
      %add3A_960 = arith.addi %get3A_650, %add3A_959 : vector<16xi32>
      %mul3A_961 = arith.constant 16 : i32
      %mul3A_962 = arith.muli %scan3A_646, %mul3A_961 : i32
      %swap3A_963 = arith.constant 28 : i32
      %swap3A_964 = arith.index_cast %swap3A_963 : i32 to index
      %swap3A_965 = arith.index_cast %mul3A_962 : i32 to index
      %swap3A_966 = tpu.vector_load %arg6[%swap3A_964, %swap3A_965] {strides = array<i32>} : memref<32x512xi32, #tpu.memory_space<vmem>>, vector<1x16xi32>,
      %swap3A_967 = vector.shape_cast %swap3A_966 : vector<1x16xi32> to vector<16xi32>
      %swap3A_968 = vector.shape_cast %add3A_960 : vector<16xi32> to vector<1x16xi32>
      tpu.vector_store %arg6[%swap3A_964, %swap3A_965], %swap3A_968 {strides = array<i32>} : memref<32x512xi32, #tpu.memory_space<vmem>>, vector<1x16xi32>,
      %add3A_969 = arith.constant 2900029 : i32
      %add3A_970 = vector.broadcast %add3A_969 : i32 to vector<16xi32>
      %add3A_971 = arith.addi %get3A_650, %add3A_970 : vector<16xi32>
      %mul3A_972 = arith.constant 16 : i32
      %mul3A_973 = arith.muli %scan3A_646, %mul3A_972 : i32
      %swap3A_974 = arith.constant 29 : i32
      %swap3A_975 = arith.index_cast %swap3A_974 : i32 to index
      %swap3A_976 = arith.index_cast %mul3A_973 : i32 to index
      %swap3A_977 = tpu.vector_load %arg6[%swap3A_975, %swap3A_976] {strides = array<i32>} : memref<32x512xi32, #tpu.memory_space<vmem>>, vector<1x16xi32>,
      %swap3A_978 = vector.shape_cast %swap3A_977 : vector<1x16xi32> to vector<16xi32>
      %swap3A_979 = vector.shape_cast %add3A_971 : vector<16xi32> to vector<1x16xi32>
      tpu.vector_store %arg6[%swap3A_975, %swap3A_976], %swap3A_979 {strides = array<i32>} : memref<32x512xi32, #tpu.memory_space<vmem>>, vector<1x16xi32>,
      %add3A_980 = arith.constant 3000030 : i32
      %add3A_981 = vector.broadcast %add3A_980 : i32 to vector<16xi32>
      %add3A_982 = arith.addi %get3A_650, %add3A_981 : vector<16xi32>
      %mul3A_983 = arith.constant 16 : i32
      %mul3A_984 = arith.muli %scan3A_646, %mul3A_983 : i32
      %swap3A_985 = arith.constant 30 : i32
      %swap3A_986 = arith.index_cast %swap3A_985 : i32 to index
      %swap3A_987 = arith.index_cast %mul3A_984 : i32 to index
      %swap3A_988 = tpu.vector_load %arg6[%swap3A_986, %swap3A_987] {strides = array<i32>} : memref<32x512xi32, #tpu.memory_space<vmem>>, vector<1x16xi32>,
      %swap3A_989 = vector.shape_cast %swap3A_988 : vector<1x16xi32> to vector<16xi32>
      %swap3A_990 = vector.shape_cast %add3A_982 : vector<16xi32> to vector<1x16xi32>
      tpu.vector_store %arg6[%swap3A_986, %swap3A_987], %swap3A_990 {strides = array<i32>} : memref<32x512xi32, #tpu.memory_space<vmem>>, vector<1x16xi32>,
      %add3A_991 = arith.constant 3100031 : i32
      %add3A_992 = vector.broadcast %add3A_991 : i32 to vector<16xi32>
      %add3A_993 = arith.addi %get3A_650, %add3A_992 : vector<16xi32>
      %mul3A_994 = arith.constant 16 : i32
      %mul3A_995 = arith.muli %scan3A_646, %mul3A_994 : i32
      %swap3A_996 = arith.constant 31 : i32
      %swap3A_997 = arith.index_cast %swap3A_996 : i32 to index
      %swap3A_998 = arith.index_cast %mul3A_995 : i32 to index
      %swap3A_999 = tpu.vector_load %arg6[%swap3A_997, %swap3A_998] {strides = array<i32>} : memref<32x512xi32, #tpu.memory_space<vmem>>, vector<1x16xi32>,
      %swap3A_1000 = vector.shape_cast %swap3A_999 : vector<1x16xi32> to vector<16xi32>
      %swap3A_1001 = vector.shape_cast %add3A_993 : vector<16xi32> to vector<1x16xi32>
      tpu.vector_store %arg6[%swap3A_997, %swap3A_998], %swap3A_1001 {strides = array<i32>} : memref<32x512xi32, #tpu.memory_space<vmem>>, vector<1x16xi32>,
    }
    %scan3A_7 = arith.constant 32 : i32
    %dma_start3A = arith.constant 0 : i32
    %dma_start3A_8 = arith.constant 0 : i32
    %dma_start3A_9 = arith.constant 0 : i32
    %dma_start3A_10 = tpu.memref_slice %arg7[%dma_start3A_8, %dma_start3A_9] : memref<32x512xf32, #tpu.memory_space<vmem>> -> memref<1x512xf32, #tpu.memory_space<vmem>>
    %dma_start3A_11 = tpu.memref_squeeze %dma_start3A_10 : memref<1x512xf32, #tpu.memory_space<vmem>> -> memref<512xf32, #tpu.memory_space<vmem>>
    %dma_start3A_12 = arith.constant 0 : i32
    %dma_start3A_13 = tpu.memref_slice %arg6[%dma_start3A, %dma_start3A_12] : memref<32x512xi32, #tpu.memory_space<vmem>> -> memref<1x512xi32, #tpu.memory_space<vmem>>
    %dma_start3A_14 = tpu.memref_squeeze %dma_start3A_13 : memref<1x512xi32, #tpu.memory_space<vmem>> -> memref<512xi32, #tpu.memory_space<vmem>>
    %dma_start3A_15 = arith.constant 0 : i32
    %dma_start3A_16 = tpu.memref_slice %arg3[%dma_start3A_15] : memref<3200032xf32, #tpu.memory_space<hbm>> -> memref<3200032xf32, #tpu.memory_space<hbm>>
    tpu.enqueue_indirect_dma source(%dma_start3A_16 : memref<3200032xf32, #tpu.memory_space<hbm>>) target(%dma_start3A_11 : memref<512xf32, #tpu.memory_space<vmem>>) offsets(%dma_start3A_14 : memref<512xi32, #tpu.memory_space<vmem>>) semaphore(%arg8 : memref<!tpu.dma_semaphore, #tpu.memory_space<semaphore_mem>>)
    %dma_start3A_17 = arith.constant 1 : i32
    %dma_start3A_18 = arith.constant 1 : i32
    %dma_start3A_19 = arith.constant 0 : i32
    %dma_start3A_20 = tpu.memref_slice %arg7[%dma_start3A_18, %dma_start3A_19] : memref<32x512xf32, #tpu.memory_space<vmem>> -> memref<1x512xf32, #tpu.memory_space<vmem>>
    %dma_start3A_21 = tpu.memref_squeeze %dma_start3A_20 : memref<1x512xf32, #tpu.memory_space<vmem>> -> memref<512xf32, #tpu.memory_space<vmem>>
    %dma_start3A_22 = arith.constant 0 : i32
    %dma_start3A_23 = tpu.memref_slice %arg6[%dma_start3A_17, %dma_start3A_22] : memref<32x512xi32, #tpu.memory_space<vmem>> -> memref<1x512xi32, #tpu.memory_space<vmem>>
    %dma_start3A_24 = tpu.memref_squeeze %dma_start3A_23 : memref<1x512xi32, #tpu.memory_space<vmem>> -> memref<512xi32, #tpu.memory_space<vmem>>
    %dma_start3A_25 = arith.constant 0 : i32
    %dma_start3A_26 = tpu.memref_slice %arg3[%dma_start3A_25] : memref<3200032xf32, #tpu.memory_space<hbm>> -> memref<3200032xf32, #tpu.memory_space<hbm>>
    tpu.enqueue_indirect_dma source(%dma_start3A_26 : memref<3200032xf32, #tpu.memory_space<hbm>>) target(%dma_start3A_21 : memref<512xf32, #tpu.memory_space<vmem>>) offsets(%dma_start3A_24 : memref<512xi32, #tpu.memory_space<vmem>>) semaphore(%arg8 : memref<!tpu.dma_semaphore, #tpu.memory_space<semaphore_mem>>)
    %dma_start3A_27 = arith.constant 2 : i32
    %dma_start3A_28 = arith.constant 2 : i32
    %dma_start3A_29 = arith.constant 0 : i32
    %dma_start3A_30 = tpu.memref_slice %arg7[%dma_start3A_28, %dma_start3A_29] : memref<32x512xf32, #tpu.memory_space<vmem>> -> memref<1x512xf32, #tpu.memory_space<vmem>>
    %dma_start3A_31 = tpu.memref_squeeze %dma_start3A_30 : memref<1x512xf32, #tpu.memory_space<vmem>> -> memref<512xf32, #tpu.memory_space<vmem>>
    %dma_start3A_32 = arith.constant 0 : i32
    %dma_start3A_33 = tpu.memref_slice %arg6[%dma_start3A_27, %dma_start3A_32] : memref<32x512xi32, #tpu.memory_space<vmem>> -> memref<1x512xi32, #tpu.memory_space<vmem>>
    %dma_start3A_34 = tpu.memref_squeeze %dma_start3A_33 : memref<1x512xi32, #tpu.memory_space<vmem>> -> memref<512xi32, #tpu.memory_space<vmem>>
    %dma_start3A_35 = arith.constant 0 : i32
    %dma_start3A_36 = tpu.memref_slice %arg3[%dma_start3A_35] : memref<3200032xf32, #tpu.memory_space<hbm>> -> memref<3200032xf32, #tpu.memory_space<hbm>>
    tpu.enqueue_indirect_dma source(%dma_start3A_36 : memref<3200032xf32, #tpu.memory_space<hbm>>) target(%dma_start3A_31 : memref<512xf32, #tpu.memory_space<vmem>>) offsets(%dma_start3A_34 : memref<512xi32, #tpu.memory_space<vmem>>) semaphore(%arg8 : memref<!tpu.dma_semaphore, #tpu.memory_space<semaphore_mem>>)
    %dma_start3A_37 = arith.constant 3 : i32
    %dma_start3A_38 = arith.constant 3 : i32
    %dma_start3A_39 = arith.constant 0 : i32
    %dma_start3A_40 = tpu.memref_slice %arg7[%dma_start3A_38, %dma_start3A_39] : memref<32x512xf32, #tpu.memory_space<vmem>> -> memref<1x512xf32, #tpu.memory_space<vmem>>
    %dma_start3A_41 = tpu.memref_squeeze %dma_start3A_40 : memref<1x512xf32, #tpu.memory_space<vmem>> -> memref<512xf32, #tpu.memory_space<vmem>>
    %dma_start3A_42 = arith.constant 0 : i32
    %dma_start3A_43 = tpu.memref_slice %arg6[%dma_start3A_37, %dma_start3A_42] : memref<32x512xi32, #tpu.memory_space<vmem>> -> memref<1x512xi32, #tpu.memory_space<vmem>>
    %dma_start3A_44 = tpu.memref_squeeze %dma_start3A_43 : memref<1x512xi32, #tpu.memory_space<vmem>> -> memref<512xi32, #tpu.memory_space<vmem>>
    %dma_start3A_45 = arith.constant 0 : i32
    %dma_start3A_46 = tpu.memref_slice %arg3[%dma_start3A_45] : memref<3200032xf32, #tpu.memory_space<hbm>> -> memref<3200032xf32, #tpu.memory_space<hbm>>
    tpu.enqueue_indirect_dma source(%dma_start3A_46 : memref<3200032xf32, #tpu.memory_space<hbm>>) target(%dma_start3A_41 : memref<512xf32, #tpu.memory_space<vmem>>) offsets(%dma_start3A_44 : memref<512xi32, #tpu.memory_space<vmem>>) semaphore(%arg8 : memref<!tpu.dma_semaphore, #tpu.memory_space<semaphore_mem>>)
    %dma_start3A_47 = arith.constant 4 : i32
    %dma_start3A_48 = arith.constant 4 : i32
    %dma_start3A_49 = arith.constant 0 : i32
    %dma_start3A_50 = tpu.memref_slice %arg7[%dma_start3A_48, %dma_start3A_49] : memref<32x512xf32, #tpu.memory_space<vmem>> -> memref<1x512xf32, #tpu.memory_space<vmem>>
    %dma_start3A_51 = tpu.memref_squeeze %dma_start3A_50 : memref<1x512xf32, #tpu.memory_space<vmem>> -> memref<512xf32, #tpu.memory_space<vmem>>
    %dma_start3A_52 = arith.constant 0 : i32
    %dma_start3A_53 = tpu.memref_slice %arg6[%dma_start3A_47, %dma_start3A_52] : memref<32x512xi32, #tpu.memory_space<vmem>> -> memref<1x512xi32, #tpu.memory_space<vmem>>
    %dma_start3A_54 = tpu.memref_squeeze %dma_start3A_53 : memref<1x512xi32, #tpu.memory_space<vmem>> -> memref<512xi32, #tpu.memory_space<vmem>>
    %dma_start3A_55 = arith.constant 0 : i32
    %dma_start3A_56 = tpu.memref_slice %arg3[%dma_start3A_55] : memref<3200032xf32, #tpu.memory_space<hbm>> -> memref<3200032xf32, #tpu.memory_space<hbm>>
    tpu.enqueue_indirect_dma source(%dma_start3A_56 : memref<3200032xf32, #tpu.memory_space<hbm>>) target(%dma_start3A_51 : memref<512xf32, #tpu.memory_space<vmem>>) offsets(%dma_start3A_54 : memref<512xi32, #tpu.memory_space<vmem>>) semaphore(%arg8 : memref<!tpu.dma_semaphore, #tpu.memory_space<semaphore_mem>>)
    %dma_start3A_57 = arith.constant 5 : i32
    %dma_start3A_58 = arith.constant 5 : i32
    %dma_start3A_59 = arith.constant 0 : i32
    %dma_start3A_60 = tpu.memref_slice %arg7[%dma_start3A_58, %dma_start3A_59] : memref<32x512xf32, #tpu.memory_space<vmem>> -> memref<1x512xf32, #tpu.memory_space<vmem>>
    %dma_start3A_61 = tpu.memref_squeeze %dma_start3A_60 : memref<1x512xf32, #tpu.memory_space<vmem>> -> memref<512xf32, #tpu.memory_space<vmem>>
    %dma_start3A_62 = arith.constant 0 : i32
    %dma_start3A_63 = tpu.memref_slice %arg6[%dma_start3A_57, %dma_start3A_62] : memref<32x512xi32, #tpu.memory_space<vmem>> -> memref<1x512xi32, #tpu.memory_space<vmem>>
    %dma_start3A_64 = tpu.memref_squeeze %dma_start3A_63 : memref<1x512xi32, #tpu.memory_space<vmem>> -> memref<512xi32, #tpu.memory_space<vmem>>
    %dma_start3A_65 = arith.constant 0 : i32
    %dma_start3A_66 = tpu.memref_slice %arg3[%dma_start3A_65] : memref<3200032xf32, #tpu.memory_space<hbm>> -> memref<3200032xf32, #tpu.memory_space<hbm>>
    tpu.enqueue_indirect_dma source(%dma_start3A_66 : memref<3200032xf32, #tpu.memory_space<hbm>>) target(%dma_start3A_61 : memref<512xf32, #tpu.memory_space<vmem>>) offsets(%dma_start3A_64 : memref<512xi32, #tpu.memory_space<vmem>>) semaphore(%arg8 : memref<!tpu.dma_semaphore, #tpu.memory_space<semaphore_mem>>)
    %dma_start3A_67 = arith.constant 6 : i32
    %dma_start3A_68 = arith.constant 6 : i32
    %dma_start3A_69 = arith.constant 0 : i32
    %dma_start3A_70 = tpu.memref_slice %arg7[%dma_start3A_68, %dma_start3A_69] : memref<32x512xf32, #tpu.memory_space<vmem>> -> memref<1x512xf32, #tpu.memory_space<vmem>>
    %dma_start3A_71 = tpu.memref_squeeze %dma_start3A_70 : memref<1x512xf32, #tpu.memory_space<vmem>> -> memref<512xf32, #tpu.memory_space<vmem>>
    %dma_start3A_72 = arith.constant 0 : i32
    %dma_start3A_73 = tpu.memref_slice %arg6[%dma_start3A_67, %dma_start3A_72] : memref<32x512xi32, #tpu.memory_space<vmem>> -> memref<1x512xi32, #tpu.memory_space<vmem>>
    %dma_start3A_74 = tpu.memref_squeeze %dma_start3A_73 : memref<1x512xi32, #tpu.memory_space<vmem>> -> memref<512xi32, #tpu.memory_space<vmem>>
    %dma_start3A_75 = arith.constant 0 : i32
    %dma_start3A_76 = tpu.memref_slice %arg3[%dma_start3A_75] : memref<3200032xf32, #tpu.memory_space<hbm>> -> memref<3200032xf32, #tpu.memory_space<hbm>>
    tpu.enqueue_indirect_dma source(%dma_start3A_76 : memref<3200032xf32, #tpu.memory_space<hbm>>) target(%dma_start3A_71 : memref<512xf32, #tpu.memory_space<vmem>>) offsets(%dma_start3A_74 : memref<512xi32, #tpu.memory_space<vmem>>) semaphore(%arg8 : memref<!tpu.dma_semaphore, #tpu.memory_space<semaphore_mem>>)
    %dma_start3A_77 = arith.constant 7 : i32
    %dma_start3A_78 = arith.constant 7 : i32
    %dma_start3A_79 = arith.constant 0 : i32
    %dma_start3A_80 = tpu.memref_slice %arg7[%dma_start3A_78, %dma_start3A_79] : memref<32x512xf32, #tpu.memory_space<vmem>> -> memref<1x512xf32, #tpu.memory_space<vmem>>
    %dma_start3A_81 = tpu.memref_squeeze %dma_start3A_80 : memref<1x512xf32, #tpu.memory_space<vmem>> -> memref<512xf32, #tpu.memory_space<vmem>>
    %dma_start3A_82 = arith.constant 0 : i32
    %dma_start3A_83 = tpu.memref_slice %arg6[%dma_start3A_77, %dma_start3A_82] : memref<32x512xi32, #tpu.memory_space<vmem>> -> memref<1x512xi32, #tpu.memory_space<vmem>>
    %dma_start3A_84 = tpu.memref_squeeze %dma_start3A_83 : memref<1x512xi32, #tpu.memory_space<vmem>> -> memref<512xi32, #tpu.memory_space<vmem>>
    %dma_start3A_85 = arith.constant 0 : i32
    %dma_start3A_86 = tpu.memref_slice %arg3[%dma_start3A_85] : memref<3200032xf32, #tpu.memory_space<hbm>> -> memref<3200032xf32, #tpu.memory_space<hbm>>
    tpu.enqueue_indirect_dma source(%dma_start3A_86 : memref<3200032xf32, #tpu.memory_space<hbm>>) target(%dma_start3A_81 : memref<512xf32, #tpu.memory_space<vmem>>) offsets(%dma_start3A_84 : memref<512xi32, #tpu.memory_space<vmem>>) semaphore(%arg8 : memref<!tpu.dma_semaphore, #tpu.memory_space<semaphore_mem>>)
    %dma_start3A_87 = arith.constant 8 : i32
    %dma_start3A_88 = arith.constant 8 : i32
    %dma_start3A_89 = arith.constant 0 : i32
    %dma_start3A_90 = tpu.memref_slice %arg7[%dma_start3A_88, %dma_start3A_89] : memref<32x512xf32, #tpu.memory_space<vmem>> -> memref<1x512xf32, #tpu.memory_space<vmem>>
    %dma_start3A_91 = tpu.memref_squeeze %dma_start3A_90 : memref<1x512xf32, #tpu.memory_space<vmem>> -> memref<512xf32, #tpu.memory_space<vmem>>
    %dma_start3A_92 = arith.constant 0 : i32
    %dma_start3A_93 = tpu.memref_slice %arg6[%dma_start3A_87, %dma_start3A_92] : memref<32x512xi32, #tpu.memory_space<vmem>> -> memref<1x512xi32, #tpu.memory_space<vmem>>
    %dma_start3A_94 = tpu.memref_squeeze %dma_start3A_93 : memref<1x512xi32, #tpu.memory_space<vmem>> -> memref<512xi32, #tpu.memory_space<vmem>>
    %dma_start3A_95 = arith.constant 0 : i32
    %dma_start3A_96 = tpu.memref_slice %arg3[%dma_start3A_95] : memref<3200032xf32, #tpu.memory_space<hbm>> -> memref<3200032xf32, #tpu.memory_space<hbm>>
    tpu.enqueue_indirect_dma source(%dma_start3A_96 : memref<3200032xf32, #tpu.memory_space<hbm>>) target(%dma_start3A_91 : memref<512xf32, #tpu.memory_space<vmem>>) offsets(%dma_start3A_94 : memref<512xi32, #tpu.memory_space<vmem>>) semaphore(%arg8 : memref<!tpu.dma_semaphore, #tpu.memory_space<semaphore_mem>>)
    %dma_start3A_97 = arith.constant 9 : i32
    %dma_start3A_98 = arith.constant 9 : i32
    %dma_start3A_99 = arith.constant 0 : i32
    %dma_start3A_100 = tpu.memref_slice %arg7[%dma_start3A_98, %dma_start3A_99] : memref<32x512xf32, #tpu.memory_space<vmem>> -> memref<1x512xf32, #tpu.memory_space<vmem>>
    %dma_start3A_101 = tpu.memref_squeeze %dma_start3A_100 : memref<1x512xf32, #tpu.memory_space<vmem>> -> memref<512xf32, #tpu.memory_space<vmem>>
    %dma_start3A_102 = arith.constant 0 : i32
    %dma_start3A_103 = tpu.memref_slice %arg6[%dma_start3A_97, %dma_start3A_102] : memref<32x512xi32, #tpu.memory_space<vmem>> -> memref<1x512xi32, #tpu.memory_space<vmem>>
    %dma_start3A_104 = tpu.memref_squeeze %dma_start3A_103 : memref<1x512xi32, #tpu.memory_space<vmem>> -> memref<512xi32, #tpu.memory_space<vmem>>
    %dma_start3A_105 = arith.constant 0 : i32
    %dma_start3A_106 = tpu.memref_slice %arg3[%dma_start3A_105] : memref<3200032xf32, #tpu.memory_space<hbm>> -> memref<3200032xf32, #tpu.memory_space<hbm>>
    tpu.enqueue_indirect_dma source(%dma_start3A_106 : memref<3200032xf32, #tpu.memory_space<hbm>>) target(%dma_start3A_101 : memref<512xf32, #tpu.memory_space<vmem>>) offsets(%dma_start3A_104 : memref<512xi32, #tpu.memory_space<vmem>>) semaphore(%arg8 : memref<!tpu.dma_semaphore, #tpu.memory_space<semaphore_mem>>)
    %dma_start3A_107 = arith.constant 10 : i32
    %dma_start3A_108 = arith.constant 10 : i32
    %dma_start3A_109 = arith.constant 0 : i32
    %dma_start3A_110 = tpu.memref_slice %arg7[%dma_start3A_108, %dma_start3A_109] : memref<32x512xf32, #tpu.memory_space<vmem>> -> memref<1x512xf32, #tpu.memory_space<vmem>>
    %dma_start3A_111 = tpu.memref_squeeze %dma_start3A_110 : memref<1x512xf32, #tpu.memory_space<vmem>> -> memref<512xf32, #tpu.memory_space<vmem>>
    %dma_start3A_112 = arith.constant 0 : i32
    %dma_start3A_113 = tpu.memref_slice %arg6[%dma_start3A_107, %dma_start3A_112] : memref<32x512xi32, #tpu.memory_space<vmem>> -> memref<1x512xi32, #tpu.memory_space<vmem>>
    %dma_start3A_114 = tpu.memref_squeeze %dma_start3A_113 : memref<1x512xi32, #tpu.memory_space<vmem>> -> memref<512xi32, #tpu.memory_space<vmem>>
    %dma_start3A_115 = arith.constant 0 : i32
    %dma_start3A_116 = tpu.memref_slice %arg3[%dma_start3A_115] : memref<3200032xf32, #tpu.memory_space<hbm>> -> memref<3200032xf32, #tpu.memory_space<hbm>>
    tpu.enqueue_indirect_dma source(%dma_start3A_116 : memref<3200032xf32, #tpu.memory_space<hbm>>) target(%dma_start3A_111 : memref<512xf32, #tpu.memory_space<vmem>>) offsets(%dma_start3A_114 : memref<512xi32, #tpu.memory_space<vmem>>) semaphore(%arg8 : memref<!tpu.dma_semaphore, #tpu.memory_space<semaphore_mem>>)
    %dma_start3A_117 = arith.constant 11 : i32
    %dma_start3A_118 = arith.constant 11 : i32
    %dma_start3A_119 = arith.constant 0 : i32
    %dma_start3A_120 = tpu.memref_slice %arg7[%dma_start3A_118, %dma_start3A_119] : memref<32x512xf32, #tpu.memory_space<vmem>> -> memref<1x512xf32, #tpu.memory_space<vmem>>
    %dma_start3A_121 = tpu.memref_squeeze %dma_start3A_120 : memref<1x512xf32, #tpu.memory_space<vmem>> -> memref<512xf32, #tpu.memory_space<vmem>>
    %dma_start3A_122 = arith.constant 0 : i32
    %dma_start3A_123 = tpu.memref_slice %arg6[%dma_start3A_117, %dma_start3A_122] : memref<32x512xi32, #tpu.memory_space<vmem>> -> memref<1x512xi32, #tpu.memory_space<vmem>>
    %dma_start3A_124 = tpu.memref_squeeze %dma_start3A_123 : memref<1x512xi32, #tpu.memory_space<vmem>> -> memref<512xi32, #tpu.memory_space<vmem>>
    %dma_start3A_125 = arith.constant 0 : i32
    %dma_start3A_126 = tpu.memref_slice %arg3[%dma_start3A_125] : memref<3200032xf32, #tpu.memory_space<hbm>> -> memref<3200032xf32, #tpu.memory_space<hbm>>
    tpu.enqueue_indirect_dma source(%dma_start3A_126 : memref<3200032xf32, #tpu.memory_space<hbm>>) target(%dma_start3A_121 : memref<512xf32, #tpu.memory_space<vmem>>) offsets(%dma_start3A_124 : memref<512xi32, #tpu.memory_space<vmem>>) semaphore(%arg8 : memref<!tpu.dma_semaphore, #tpu.memory_space<semaphore_mem>>)
    %dma_start3A_127 = arith.constant 12 : i32
    %dma_start3A_128 = arith.constant 12 : i32
    %dma_start3A_129 = arith.constant 0 : i32
    %dma_start3A_130 = tpu.memref_slice %arg7[%dma_start3A_128, %dma_start3A_129] : memref<32x512xf32, #tpu.memory_space<vmem>> -> memref<1x512xf32, #tpu.memory_space<vmem>>
    %dma_start3A_131 = tpu.memref_squeeze %dma_start3A_130 : memref<1x512xf32, #tpu.memory_space<vmem>> -> memref<512xf32, #tpu.memory_space<vmem>>
    %dma_start3A_132 = arith.constant 0 : i32
    %dma_start3A_133 = tpu.memref_slice %arg6[%dma_start3A_127, %dma_start3A_132] : memref<32x512xi32, #tpu.memory_space<vmem>> -> memref<1x512xi32, #tpu.memory_space<vmem>>
    %dma_start3A_134 = tpu.memref_squeeze %dma_start3A_133 : memref<1x512xi32, #tpu.memory_space<vmem>> -> memref<512xi32, #tpu.memory_space<vmem>>
    %dma_start3A_135 = arith.constant 0 : i32
    %dma_start3A_136 = tpu.memref_slice %arg3[%dma_start3A_135] : memref<3200032xf32, #tpu.memory_space<hbm>> -> memref<3200032xf32, #tpu.memory_space<hbm>>
    tpu.enqueue_indirect_dma source(%dma_start3A_136 : memref<3200032xf32, #tpu.memory_space<hbm>>) target(%dma_start3A_131 : memref<512xf32, #tpu.memory_space<vmem>>) offsets(%dma_start3A_134 : memref<512xi32, #tpu.memory_space<vmem>>) semaphore(%arg8 : memref<!tpu.dma_semaphore, #tpu.memory_space<semaphore_mem>>)
    %dma_start3A_137 = arith.constant 13 : i32
    %dma_start3A_138 = arith.constant 13 : i32
    %dma_start3A_139 = arith.constant 0 : i32
    %dma_start3A_140 = tpu.memref_slice %arg7[%dma_start3A_138, %dma_start3A_139] : memref<32x512xf32, #tpu.memory_space<vmem>> -> memref<1x512xf32, #tpu.memory_space<vmem>>
    %dma_start3A_141 = tpu.memref_squeeze %dma_start3A_140 : memref<1x512xf32, #tpu.memory_space<vmem>> -> memref<512xf32, #tpu.memory_space<vmem>>
    %dma_start3A_142 = arith.constant 0 : i32
    %dma_start3A_143 = tpu.memref_slice %arg6[%dma_start3A_137, %dma_start3A_142] : memref<32x512xi32, #tpu.memory_space<vmem>> -> memref<1x512xi32, #tpu.memory_space<vmem>>
    %dma_start3A_144 = tpu.memref_squeeze %dma_start3A_143 : memref<1x512xi32, #tpu.memory_space<vmem>> -> memref<512xi32, #tpu.memory_space<vmem>>
    %dma_start3A_145 = arith.constant 0 : i32
    %dma_start3A_146 = tpu.memref_slice %arg3[%dma_start3A_145] : memref<3200032xf32, #tpu.memory_space<hbm>> -> memref<3200032xf32, #tpu.memory_space<hbm>>
    tpu.enqueue_indirect_dma source(%dma_start3A_146 : memref<3200032xf32, #tpu.memory_space<hbm>>) target(%dma_start3A_141 : memref<512xf32, #tpu.memory_space<vmem>>) offsets(%dma_start3A_144 : memref<512xi32, #tpu.memory_space<vmem>>) semaphore(%arg8 : memref<!tpu.dma_semaphore, #tpu.memory_space<semaphore_mem>>)
    %dma_start3A_147 = arith.constant 14 : i32
    %dma_start3A_148 = arith.constant 14 : i32
    %dma_start3A_149 = arith.constant 0 : i32
    %dma_start3A_150 = tpu.memref_slice %arg7[%dma_start3A_148, %dma_start3A_149] : memref<32x512xf32, #tpu.memory_space<vmem>> -> memref<1x512xf32, #tpu.memory_space<vmem>>
    %dma_start3A_151 = tpu.memref_squeeze %dma_start3A_150 : memref<1x512xf32, #tpu.memory_space<vmem>> -> memref<512xf32, #tpu.memory_space<vmem>>
    %dma_start3A_152 = arith.constant 0 : i32
    %dma_start3A_153 = tpu.memref_slice %arg6[%dma_start3A_147, %dma_start3A_152] : memref<32x512xi32, #tpu.memory_space<vmem>> -> memref<1x512xi32, #tpu.memory_space<vmem>>
    %dma_start3A_154 = tpu.memref_squeeze %dma_start3A_153 : memref<1x512xi32, #tpu.memory_space<vmem>> -> memref<512xi32, #tpu.memory_space<vmem>>
    %dma_start3A_155 = arith.constant 0 : i32
    %dma_start3A_156 = tpu.memref_slice %arg3[%dma_start3A_155] : memref<3200032xf32, #tpu.memory_space<hbm>> -> memref<3200032xf32, #tpu.memory_space<hbm>>
    tpu.enqueue_indirect_dma source(%dma_start3A_156 : memref<3200032xf32, #tpu.memory_space<hbm>>) target(%dma_start3A_151 : memref<512xf32, #tpu.memory_space<vmem>>) offsets(%dma_start3A_154 : memref<512xi32, #tpu.memory_space<vmem>>) semaphore(%arg8 : memref<!tpu.dma_semaphore, #tpu.memory_space<semaphore_mem>>)
    %dma_start3A_157 = arith.constant 15 : i32
    %dma_start3A_158 = arith.constant 15 : i32
    %dma_start3A_159 = arith.constant 0 : i32
    %dma_start3A_160 = tpu.memref_slice %arg7[%dma_start3A_158, %dma_start3A_159] : memref<32x512xf32, #tpu.memory_space<vmem>> -> memref<1x512xf32, #tpu.memory_space<vmem>>
    %dma_start3A_161 = tpu.memref_squeeze %dma_start3A_160 : memref<1x512xf32, #tpu.memory_space<vmem>> -> memref<512xf32, #tpu.memory_space<vmem>>
    %dma_start3A_162 = arith.constant 0 : i32
    %dma_start3A_163 = tpu.memref_slice %arg6[%dma_start3A_157, %dma_start3A_162] : memref<32x512xi32, #tpu.memory_space<vmem>> -> memref<1x512xi32, #tpu.memory_space<vmem>>
    %dma_start3A_164 = tpu.memref_squeeze %dma_start3A_163 : memref<1x512xi32, #tpu.memory_space<vmem>> -> memref<512xi32, #tpu.memory_space<vmem>>
    %dma_start3A_165 = arith.constant 0 : i32
    %dma_start3A_166 = tpu.memref_slice %arg3[%dma_start3A_165] : memref<3200032xf32, #tpu.memory_space<hbm>> -> memref<3200032xf32, #tpu.memory_space<hbm>>
    tpu.enqueue_indirect_dma source(%dma_start3A_166 : memref<3200032xf32, #tpu.memory_space<hbm>>) target(%dma_start3A_161 : memref<512xf32, #tpu.memory_space<vmem>>) offsets(%dma_start3A_164 : memref<512xi32, #tpu.memory_space<vmem>>) semaphore(%arg8 : memref<!tpu.dma_semaphore, #tpu.memory_space<semaphore_mem>>)
    %dma_start3A_167 = arith.constant 16 : i32
    %dma_start3A_168 = arith.constant 16 : i32
    %dma_start3A_169 = arith.constant 0 : i32
    %dma_start3A_170 = tpu.memref_slice %arg7[%dma_start3A_168, %dma_start3A_169] : memref<32x512xf32, #tpu.memory_space<vmem>> -> memref<1x512xf32, #tpu.memory_space<vmem>>
    %dma_start3A_171 = tpu.memref_squeeze %dma_start3A_170 : memref<1x512xf32, #tpu.memory_space<vmem>> -> memref<512xf32, #tpu.memory_space<vmem>>
    %dma_start3A_172 = arith.constant 0 : i32
    %dma_start3A_173 = tpu.memref_slice %arg6[%dma_start3A_167, %dma_start3A_172] : memref<32x512xi32, #tpu.memory_space<vmem>> -> memref<1x512xi32, #tpu.memory_space<vmem>>
    %dma_start3A_174 = tpu.memref_squeeze %dma_start3A_173 : memref<1x512xi32, #tpu.memory_space<vmem>> -> memref<512xi32, #tpu.memory_space<vmem>>
    %dma_start3A_175 = arith.constant 0 : i32
    %dma_start3A_176 = tpu.memref_slice %arg3[%dma_start3A_175] : memref<3200032xf32, #tpu.memory_space<hbm>> -> memref<3200032xf32, #tpu.memory_space<hbm>>
    tpu.enqueue_indirect_dma source(%dma_start3A_176 : memref<3200032xf32, #tpu.memory_space<hbm>>) target(%dma_start3A_171 : memref<512xf32, #tpu.memory_space<vmem>>) offsets(%dma_start3A_174 : memref<512xi32, #tpu.memory_space<vmem>>) semaphore(%arg8 : memref<!tpu.dma_semaphore, #tpu.memory_space<semaphore_mem>>)
    %dma_wait3A = arith.constant 0 : i32
    %dma_wait3A_177 = arith.constant 0 : i32
    %dma_wait3A_178 = arith.constant 0 : i32
    %dma_wait3A_179 = tpu.memref_slice %arg7[%dma_wait3A_177, %dma_wait3A_178] : memref<32x512xf32, #tpu.memory_space<vmem>> -> memref<1x512xf32, #tpu.memory_space<vmem>>
    %dma_wait3A_180 = tpu.memref_squeeze %dma_wait3A_179 : memref<1x512xf32, #tpu.memory_space<vmem>> -> memref<512xf32, #tpu.memory_space<vmem>>
    %dma_wait3A_181 = arith.constant 0 : i32
    %dma_wait3A_182 = tpu.memref_slice %arg6[%dma_wait3A, %dma_wait3A_181] : memref<32x512xi32, #tpu.memory_space<vmem>> -> memref<1x512xi32, #tpu.memory_space<vmem>>
    %dma_wait3A_183 = tpu.memref_squeeze %dma_wait3A_182 : memref<1x512xi32, #tpu.memory_space<vmem>> -> memref<512xi32, #tpu.memory_space<vmem>>
    %dma_wait3A_184 = arith.constant 0 : i32
    %dma_wait3A_185 = tpu.memref_slice %arg3[%dma_wait3A_184] : memref<3200032xf32, #tpu.memory_space<hbm>> -> memref<3200032xf32, #tpu.memory_space<hbm>>
    tpu.wait_indirect_dma semaphore(%arg8 : memref<!tpu.dma_semaphore, #tpu.memory_space<semaphore_mem>>) src(%dma_wait3A_185 : memref<3200032xf32, #tpu.memory_space<hbm>>) dst(%dma_wait3A_180 : memref<512xf32, #tpu.memory_space<vmem>>)
    %dma_start3A_186 = arith.constant 17 : i32
    %dma_start3A_187 = arith.constant 17 : i32
    %dma_start3A_188 = arith.constant 0 : i32
    %dma_start3A_189 = tpu.memref_slice %arg7[%dma_start3A_187, %dma_start3A_188] : memref<32x512xf32, #tpu.memory_space<vmem>> -> memref<1x512xf32, #tpu.memory_space<vmem>>
    %dma_start3A_190 = tpu.memref_squeeze %dma_start3A_189 : memref<1x512xf32, #tpu.memory_space<vmem>> -> memref<512xf32, #tpu.memory_space<vmem>>
    %dma_start3A_191 = arith.constant 0 : i32
    %dma_start3A_192 = tpu.memref_slice %arg6[%dma_start3A_186, %dma_start3A_191] : memref<32x512xi32, #tpu.memory_space<vmem>> -> memref<1x512xi32, #tpu.memory_space<vmem>>
    %dma_start3A_193 = tpu.memref_squeeze %dma_start3A_192 : memref<1x512xi32, #tpu.memory_space<vmem>> -> memref<512xi32, #tpu.memory_space<vmem>>
    %dma_start3A_194 = arith.constant 0 : i32
    %dma_start3A_195 = tpu.memref_slice %arg3[%dma_start3A_194] : memref<3200032xf32, #tpu.memory_space<hbm>> -> memref<3200032xf32, #tpu.memory_space<hbm>>
    tpu.enqueue_indirect_dma source(%dma_start3A_195 : memref<3200032xf32, #tpu.memory_space<hbm>>) target(%dma_start3A_190 : memref<512xf32, #tpu.memory_space<vmem>>) offsets(%dma_start3A_193 : memref<512xi32, #tpu.memory_space<vmem>>) semaphore(%arg8 : memref<!tpu.dma_semaphore, #tpu.memory_space<semaphore_mem>>)
    %dma_wait3A_196 = arith.constant 1 : i32
    %dma_wait3A_197 = arith.constant 1 : i32
    %dma_wait3A_198 = arith.constant 0 : i32
    %dma_wait3A_199 = tpu.memref_slice %arg7[%dma_wait3A_197, %dma_wait3A_198] : memref<32x512xf32, #tpu.memory_space<vmem>> -> memref<1x512xf32, #tpu.memory_space<vmem>>
    %dma_wait3A_200 = tpu.memref_squeeze %dma_wait3A_199 : memref<1x512xf32, #tpu.memory_space<vmem>> -> memref<512xf32, #tpu.memory_space<vmem>>
    %dma_wait3A_201 = arith.constant 0 : i32
    %dma_wait3A_202 = tpu.memref_slice %arg6[%dma_wait3A_196, %dma_wait3A_201] : memref<32x512xi32, #tpu.memory_space<vmem>> -> memref<1x512xi32, #tpu.memory_space<vmem>>
    %dma_wait3A_203 = tpu.memref_squeeze %dma_wait3A_202 : memref<1x512xi32, #tpu.memory_space<vmem>> -> memref<512xi32, #tpu.memory_space<vmem>>
    %dma_wait3A_204 = arith.constant 0 : i32
    %dma_wait3A_205 = tpu.memref_slice %arg3[%dma_wait3A_204] : memref<3200032xf32, #tpu.memory_space<hbm>> -> memref<3200032xf32, #tpu.memory_space<hbm>>
    tpu.wait_indirect_dma semaphore(%arg8 : memref<!tpu.dma_semaphore, #tpu.memory_space<semaphore_mem>>) src(%dma_wait3A_205 : memref<3200032xf32, #tpu.memory_space<hbm>>) dst(%dma_wait3A_200 : memref<512xf32, #tpu.memory_space<vmem>>)
    %dma_start3A_206 = arith.constant 18 : i32
    %dma_start3A_207 = arith.constant 18 : i32
    %dma_start3A_208 = arith.constant 0 : i32
    %dma_start3A_209 = tpu.memref_slice %arg7[%dma_start3A_207, %dma_start3A_208] : memref<32x512xf32, #tpu.memory_space<vmem>> -> memref<1x512xf32, #tpu.memory_space<vmem>>
    %dma_start3A_210 = tpu.memref_squeeze %dma_start3A_209 : memref<1x512xf32, #tpu.memory_space<vmem>> -> memref<512xf32, #tpu.memory_space<vmem>>
    %dma_start3A_211 = arith.constant 0 : i32
    %dma_start3A_212 = tpu.memref_slice %arg6[%dma_start3A_206, %dma_start3A_211] : memref<32x512xi32, #tpu.memory_space<vmem>> -> memref<1x512xi32, #tpu.memory_space<vmem>>
    %dma_start3A_213 = tpu.memref_squeeze %dma_start3A_212 : memref<1x512xi32, #tpu.memory_space<vmem>> -> memref<512xi32, #tpu.memory_space<vmem>>
    %dma_start3A_214 = arith.constant 0 : i32
    %dma_start3A_215 = tpu.memref_slice %arg3[%dma_start3A_214] : memref<3200032xf32, #tpu.memory_space<hbm>> -> memref<3200032xf32, #tpu.memory_space<hbm>>
    tpu.enqueue_indirect_dma source(%dma_start3A_215 : memref<3200032xf32, #tpu.memory_space<hbm>>) target(%dma_start3A_210 : memref<512xf32, #tpu.memory_space<vmem>>) offsets(%dma_start3A_213 : memref<512xi32, #tpu.memory_space<vmem>>) semaphore(%arg8 : memref<!tpu.dma_semaphore, #tpu.memory_space<semaphore_mem>>)
    %dma_wait3A_216 = arith.constant 2 : i32
    %dma_wait3A_217 = arith.constant 2 : i32
    %dma_wait3A_218 = arith.constant 0 : i32
    %dma_wait3A_219 = tpu.memref_slice %arg7[%dma_wait3A_217, %dma_wait3A_218] : memref<32x512xf32, #tpu.memory_space<vmem>> -> memref<1x512xf32, #tpu.memory_space<vmem>>
    %dma_wait3A_220 = tpu.memref_squeeze %dma_wait3A_219 : memref<1x512xf32, #tpu.memory_space<vmem>> -> memref<512xf32, #tpu.memory_space<vmem>>
    %dma_wait3A_221 = arith.constant 0 : i32
    %dma_wait3A_222 = tpu.memref_slice %arg6[%dma_wait3A_216, %dma_wait3A_221] : memref<32x512xi32, #tpu.memory_space<vmem>> -> memref<1x512xi32, #tpu.memory_space<vmem>>
    %dma_wait3A_223 = tpu.memref_squeeze %dma_wait3A_222 : memref<1x512xi32, #tpu.memory_space<vmem>> -> memref<512xi32, #tpu.memory_space<vmem>>
    %dma_wait3A_224 = arith.constant 0 : i32
    %dma_wait3A_225 = tpu.memref_slice %arg3[%dma_wait3A_224] : memref<3200032xf32, #tpu.memory_space<hbm>> -> memref<3200032xf32, #tpu.memory_space<hbm>>
    tpu.wait_indirect_dma semaphore(%arg8 : memref<!tpu.dma_semaphore, #tpu.memory_space<semaphore_mem>>) src(%dma_wait3A_225 : memref<3200032xf32, #tpu.memory_space<hbm>>) dst(%dma_wait3A_220 : memref<512xf32, #tpu.memory_space<vmem>>)
    %dma_start3A_226 = arith.constant 19 : i32
    %dma_start3A_227 = arith.constant 19 : i32
    %dma_start3A_228 = arith.constant 0 : i32
    %dma_start3A_229 = tpu.memref_slice %arg7[%dma_start3A_227, %dma_start3A_228] : memref<32x512xf32, #tpu.memory_space<vmem>> -> memref<1x512xf32, #tpu.memory_space<vmem>>
    %dma_start3A_230 = tpu.memref_squeeze %dma_start3A_229 : memref<1x512xf32, #tpu.memory_space<vmem>> -> memref<512xf32, #tpu.memory_space<vmem>>
    %dma_start3A_231 = arith.constant 0 : i32
    %dma_start3A_232 = tpu.memref_slice %arg6[%dma_start3A_226, %dma_start3A_231] : memref<32x512xi32, #tpu.memory_space<vmem>> -> memref<1x512xi32, #tpu.memory_space<vmem>>
    %dma_start3A_233 = tpu.memref_squeeze %dma_start3A_232 : memref<1x512xi32, #tpu.memory_space<vmem>> -> memref<512xi32, #tpu.memory_space<vmem>>
    %dma_start3A_234 = arith.constant 0 : i32
    %dma_start3A_235 = tpu.memref_slice %arg3[%dma_start3A_234] : memref<3200032xf32, #tpu.memory_space<hbm>> -> memref<3200032xf32, #tpu.memory_space<hbm>>
    tpu.enqueue_indirect_dma source(%dma_start3A_235 : memref<3200032xf32, #tpu.memory_space<hbm>>) target(%dma_start3A_230 : memref<512xf32, #tpu.memory_space<vmem>>) offsets(%dma_start3A_233 : memref<512xi32, #tpu.memory_space<vmem>>) semaphore(%arg8 : memref<!tpu.dma_semaphore, #tpu.memory_space<semaphore_mem>>)
    %dma_wait3A_236 = arith.constant 3 : i32
    %dma_wait3A_237 = arith.constant 3 : i32
    %dma_wait3A_238 = arith.constant 0 : i32
    %dma_wait3A_239 = tpu.memref_slice %arg7[%dma_wait3A_237, %dma_wait3A_238] : memref<32x512xf32, #tpu.memory_space<vmem>> -> memref<1x512xf32, #tpu.memory_space<vmem>>
    %dma_wait3A_240 = tpu.memref_squeeze %dma_wait3A_239 : memref<1x512xf32, #tpu.memory_space<vmem>> -> memref<512xf32, #tpu.memory_space<vmem>>
    %dma_wait3A_241 = arith.constant 0 : i32
    %dma_wait3A_242 = tpu.memref_slice %arg6[%dma_wait3A_236, %dma_wait3A_241] : memref<32x512xi32, #tpu.memory_space<vmem>> -> memref<1x512xi32, #tpu.memory_space<vmem>>
    %dma_wait3A_243 = tpu.memref_squeeze %dma_wait3A_242 : memref<1x512xi32, #tpu.memory_space<vmem>> -> memref<512xi32, #tpu.memory_space<vmem>>
    %dma_wait3A_244 = arith.constant 0 : i32
    %dma_wait3A_245 = tpu.memref_slice %arg3[%dma_wait3A_244] : memref<3200032xf32, #tpu.memory_space<hbm>> -> memref<3200032xf32, #tpu.memory_space<hbm>>
    tpu.wait_indirect_dma semaphore(%arg8 : memref<!tpu.dma_semaphore, #tpu.memory_space<semaphore_mem>>) src(%dma_wait3A_245 : memref<3200032xf32, #tpu.memory_space<hbm>>) dst(%dma_wait3A_240 : memref<512xf32, #tpu.memory_space<vmem>>)
    %dma_start3A_246 = arith.constant 20 : i32
    %dma_start3A_247 = arith.constant 20 : i32
    %dma_start3A_248 = arith.constant 0 : i32
    %dma_start3A_249 = tpu.memref_slice %arg7[%dma_start3A_247, %dma_start3A_248] : memref<32x512xf32, #tpu.memory_space<vmem>> -> memref<1x512xf32, #tpu.memory_space<vmem>>
    %dma_start3A_250 = tpu.memref_squeeze %dma_start3A_249 : memref<1x512xf32, #tpu.memory_space<vmem>> -> memref<512xf32, #tpu.memory_space<vmem>>
    %dma_start3A_251 = arith.constant 0 : i32
    %dma_start3A_252 = tpu.memref_slice %arg6[%dma_start3A_246, %dma_start3A_251] : memref<32x512xi32, #tpu.memory_space<vmem>> -> memref<1x512xi32, #tpu.memory_space<vmem>>
    %dma_start3A_253 = tpu.memref_squeeze %dma_start3A_252 : memref<1x512xi32, #tpu.memory_space<vmem>> -> memref<512xi32, #tpu.memory_space<vmem>>
    %dma_start3A_254 = arith.constant 0 : i32
    %dma_start3A_255 = tpu.memref_slice %arg3[%dma_start3A_254] : memref<3200032xf32, #tpu.memory_space<hbm>> -> memref<3200032xf32, #tpu.memory_space<hbm>>
    tpu.enqueue_indirect_dma source(%dma_start3A_255 : memref<3200032xf32, #tpu.memory_space<hbm>>) target(%dma_start3A_250 : memref<512xf32, #tpu.memory_space<vmem>>) offsets(%dma_start3A_253 : memref<512xi32, #tpu.memory_space<vmem>>) semaphore(%arg8 : memref<!tpu.dma_semaphore, #tpu.memory_space<semaphore_mem>>)
    %dma_wait3A_256 = arith.constant 4 : i32
    %dma_wait3A_257 = arith.constant 4 : i32
    %dma_wait3A_258 = arith.constant 0 : i32
    %dma_wait3A_259 = tpu.memref_slice %arg7[%dma_wait3A_257, %dma_wait3A_258] : memref<32x512xf32, #tpu.memory_space<vmem>> -> memref<1x512xf32, #tpu.memory_space<vmem>>
    %dma_wait3A_260 = tpu.memref_squeeze %dma_wait3A_259 : memref<1x512xf32, #tpu.memory_space<vmem>> -> memref<512xf32, #tpu.memory_space<vmem>>
    %dma_wait3A_261 = arith.constant 0 : i32
    %dma_wait3A_262 = tpu.memref_slice %arg6[%dma_wait3A_256, %dma_wait3A_261] : memref<32x512xi32, #tpu.memory_space<vmem>> -> memref<1x512xi32, #tpu.memory_space<vmem>>
    %dma_wait3A_263 = tpu.memref_squeeze %dma_wait3A_262 : memref<1x512xi32, #tpu.memory_space<vmem>> -> memref<512xi32, #tpu.memory_space<vmem>>
    %dma_wait3A_264 = arith.constant 0 : i32
    %dma_wait3A_265 = tpu.memref_slice %arg3[%dma_wait3A_264] : memref<3200032xf32, #tpu.memory_space<hbm>> -> memref<3200032xf32, #tpu.memory_space<hbm>>
    tpu.wait_indirect_dma semaphore(%arg8 : memref<!tpu.dma_semaphore, #tpu.memory_space<semaphore_mem>>) src(%dma_wait3A_265 : memref<3200032xf32, #tpu.memory_space<hbm>>) dst(%dma_wait3A_260 : memref<512xf32, #tpu.memory_space<vmem>>)
    %dma_start3A_266 = arith.constant 21 : i32
    %dma_start3A_267 = arith.constant 21 : i32
    %dma_start3A_268 = arith.constant 0 : i32
    %dma_start3A_269 = tpu.memref_slice %arg7[%dma_start3A_267, %dma_start3A_268] : memref<32x512xf32, #tpu.memory_space<vmem>> -> memref<1x512xf32, #tpu.memory_space<vmem>>
    %dma_start3A_270 = tpu.memref_squeeze %dma_start3A_269 : memref<1x512xf32, #tpu.memory_space<vmem>> -> memref<512xf32, #tpu.memory_space<vmem>>
    %dma_start3A_271 = arith.constant 0 : i32
    %dma_start3A_272 = tpu.memref_slice %arg6[%dma_start3A_266, %dma_start3A_271] : memref<32x512xi32, #tpu.memory_space<vmem>> -> memref<1x512xi32, #tpu.memory_space<vmem>>
    %dma_start3A_273 = tpu.memref_squeeze %dma_start3A_272 : memref<1x512xi32, #tpu.memory_space<vmem>> -> memref<512xi32, #tpu.memory_space<vmem>>
    %dma_start3A_274 = arith.constant 0 : i32
    %dma_start3A_275 = tpu.memref_slice %arg3[%dma_start3A_274] : memref<3200032xf32, #tpu.memory_space<hbm>> -> memref<3200032xf32, #tpu.memory_space<hbm>>
    tpu.enqueue_indirect_dma source(%dma_start3A_275 : memref<3200032xf32, #tpu.memory_space<hbm>>) target(%dma_start3A_270 : memref<512xf32, #tpu.memory_space<vmem>>) offsets(%dma_start3A_273 : memref<512xi32, #tpu.memory_space<vmem>>) semaphore(%arg8 : memref<!tpu.dma_semaphore, #tpu.memory_space<semaphore_mem>>)
    %dma_wait3A_276 = arith.constant 5 : i32
    %dma_wait3A_277 = arith.constant 5 : i32
    %dma_wait3A_278 = arith.constant 0 : i32
    %dma_wait3A_279 = tpu.memref_slice %arg7[%dma_wait3A_277, %dma_wait3A_278] : memref<32x512xf32, #tpu.memory_space<vmem>> -> memref<1x512xf32, #tpu.memory_space<vmem>>
    %dma_wait3A_280 = tpu.memref_squeeze %dma_wait3A_279 : memref<1x512xf32, #tpu.memory_space<vmem>> -> memref<512xf32, #tpu.memory_space<vmem>>
    %dma_wait3A_281 = arith.constant 0 : i32
    %dma_wait3A_282 = tpu.memref_slice %arg6[%dma_wait3A_276, %dma_wait3A_281] : memref<32x512xi32, #tpu.memory_space<vmem>> -> memref<1x512xi32, #tpu.memory_space<vmem>>
    %dma_wait3A_283 = tpu.memref_squeeze %dma_wait3A_282 : memref<1x512xi32, #tpu.memory_space<vmem>> -> memref<512xi32, #tpu.memory_space<vmem>>
    %dma_wait3A_284 = arith.constant 0 : i32
    %dma_wait3A_285 = tpu.memref_slice %arg3[%dma_wait3A_284] : memref<3200032xf32, #tpu.memory_space<hbm>> -> memref<3200032xf32, #tpu.memory_space<hbm>>
    tpu.wait_indirect_dma semaphore(%arg8 : memref<!tpu.dma_semaphore, #tpu.memory_space<semaphore_mem>>) src(%dma_wait3A_285 : memref<3200032xf32, #tpu.memory_space<hbm>>) dst(%dma_wait3A_280 : memref<512xf32, #tpu.memory_space<vmem>>)
    %dma_start3A_286 = arith.constant 22 : i32
    %dma_start3A_287 = arith.constant 22 : i32
    %dma_start3A_288 = arith.constant 0 : i32
    %dma_start3A_289 = tpu.memref_slice %arg7[%dma_start3A_287, %dma_start3A_288] : memref<32x512xf32, #tpu.memory_space<vmem>> -> memref<1x512xf32, #tpu.memory_space<vmem>>
    %dma_start3A_290 = tpu.memref_squeeze %dma_start3A_289 : memref<1x512xf32, #tpu.memory_space<vmem>> -> memref<512xf32, #tpu.memory_space<vmem>>
    %dma_start3A_291 = arith.constant 0 : i32
    %dma_start3A_292 = tpu.memref_slice %arg6[%dma_start3A_286, %dma_start3A_291] : memref<32x512xi32, #tpu.memory_space<vmem>> -> memref<1x512xi32, #tpu.memory_space<vmem>>
    %dma_start3A_293 = tpu.memref_squeeze %dma_start3A_292 : memref<1x512xi32, #tpu.memory_space<vmem>> -> memref<512xi32, #tpu.memory_space<vmem>>
    %dma_start3A_294 = arith.constant 0 : i32
    %dma_start3A_295 = tpu.memref_slice %arg3[%dma_start3A_294] : memref<3200032xf32, #tpu.memory_space<hbm>> -> memref<3200032xf32, #tpu.memory_space<hbm>>
    tpu.enqueue_indirect_dma source(%dma_start3A_295 : memref<3200032xf32, #tpu.memory_space<hbm>>) target(%dma_start3A_290 : memref<512xf32, #tpu.memory_space<vmem>>) offsets(%dma_start3A_293 : memref<512xi32, #tpu.memory_space<vmem>>) semaphore(%arg8 : memref<!tpu.dma_semaphore, #tpu.memory_space<semaphore_mem>>)
    %dma_wait3A_296 = arith.constant 6 : i32
    %dma_wait3A_297 = arith.constant 6 : i32
    %dma_wait3A_298 = arith.constant 0 : i32
    %dma_wait3A_299 = tpu.memref_slice %arg7[%dma_wait3A_297, %dma_wait3A_298] : memref<32x512xf32, #tpu.memory_space<vmem>> -> memref<1x512xf32, #tpu.memory_space<vmem>>
    %dma_wait3A_300 = tpu.memref_squeeze %dma_wait3A_299 : memref<1x512xf32, #tpu.memory_space<vmem>> -> memref<512xf32, #tpu.memory_space<vmem>>
    %dma_wait3A_301 = arith.constant 0 : i32
    %dma_wait3A_302 = tpu.memref_slice %arg6[%dma_wait3A_296, %dma_wait3A_301] : memref<32x512xi32, #tpu.memory_space<vmem>> -> memref<1x512xi32, #tpu.memory_space<vmem>>
    %dma_wait3A_303 = tpu.memref_squeeze %dma_wait3A_302 : memref<1x512xi32, #tpu.memory_space<vmem>> -> memref<512xi32, #tpu.memory_space<vmem>>
    %dma_wait3A_304 = arith.constant 0 : i32
    %dma_wait3A_305 = tpu.memref_slice %arg3[%dma_wait3A_304] : memref<3200032xf32, #tpu.memory_space<hbm>> -> memref<3200032xf32, #tpu.memory_space<hbm>>
    tpu.wait_indirect_dma semaphore(%arg8 : memref<!tpu.dma_semaphore, #tpu.memory_space<semaphore_mem>>) src(%dma_wait3A_305 : memref<3200032xf32, #tpu.memory_space<hbm>>) dst(%dma_wait3A_300 : memref<512xf32, #tpu.memory_space<vmem>>)
    %dma_start3A_306 = arith.constant 23 : i32
    %dma_start3A_307 = arith.constant 23 : i32
    %dma_start3A_308 = arith.constant 0 : i32
    %dma_start3A_309 = tpu.memref_slice %arg7[%dma_start3A_307, %dma_start3A_308] : memref<32x512xf32, #tpu.memory_space<vmem>> -> memref<1x512xf32, #tpu.memory_space<vmem>>
    %dma_start3A_310 = tpu.memref_squeeze %dma_start3A_309 : memref<1x512xf32, #tpu.memory_space<vmem>> -> memref<512xf32, #tpu.memory_space<vmem>>
    %dma_start3A_311 = arith.constant 0 : i32
    %dma_start3A_312 = tpu.memref_slice %arg6[%dma_start3A_306, %dma_start3A_311] : memref<32x512xi32, #tpu.memory_space<vmem>> -> memref<1x512xi32, #tpu.memory_space<vmem>>
    %dma_start3A_313 = tpu.memref_squeeze %dma_start3A_312 : memref<1x512xi32, #tpu.memory_space<vmem>> -> memref<512xi32, #tpu.memory_space<vmem>>
    %dma_start3A_314 = arith.constant 0 : i32
    %dma_start3A_315 = tpu.memref_slice %arg3[%dma_start3A_314] : memref<3200032xf32, #tpu.memory_space<hbm>> -> memref<3200032xf32, #tpu.memory_space<hbm>>
    tpu.enqueue_indirect_dma source(%dma_start3A_315 : memref<3200032xf32, #tpu.memory_space<hbm>>) target(%dma_start3A_310 : memref<512xf32, #tpu.memory_space<vmem>>) offsets(%dma_start3A_313 : memref<512xi32, #tpu.memory_space<vmem>>) semaphore(%arg8 : memref<!tpu.dma_semaphore, #tpu.memory_space<semaphore_mem>>)
    %dma_wait3A_316 = arith.constant 7 : i32
    %dma_wait3A_317 = arith.constant 7 : i32
    %dma_wait3A_318 = arith.constant 0 : i32
    %dma_wait3A_319 = tpu.memref_slice %arg7[%dma_wait3A_317, %dma_wait3A_318] : memref<32x512xf32, #tpu.memory_space<vmem>> -> memref<1x512xf32, #tpu.memory_space<vmem>>
    %dma_wait3A_320 = tpu.memref_squeeze %dma_wait3A_319 : memref<1x512xf32, #tpu.memory_space<vmem>> -> memref<512xf32, #tpu.memory_space<vmem>>
    %dma_wait3A_321 = arith.constant 0 : i32
    %dma_wait3A_322 = tpu.memref_slice %arg6[%dma_wait3A_316, %dma_wait3A_321] : memref<32x512xi32, #tpu.memory_space<vmem>> -> memref<1x512xi32, #tpu.memory_space<vmem>>
    %dma_wait3A_323 = tpu.memref_squeeze %dma_wait3A_322 : memref<1x512xi32, #tpu.memory_space<vmem>> -> memref<512xi32, #tpu.memory_space<vmem>>
    %dma_wait3A_324 = arith.constant 0 : i32
    %dma_wait3A_325 = tpu.memref_slice %arg3[%dma_wait3A_324] : memref<3200032xf32, #tpu.memory_space<hbm>> -> memref<3200032xf32, #tpu.memory_space<hbm>>
    tpu.wait_indirect_dma semaphore(%arg8 : memref<!tpu.dma_semaphore, #tpu.memory_space<semaphore_mem>>) src(%dma_wait3A_325 : memref<3200032xf32, #tpu.memory_space<hbm>>) dst(%dma_wait3A_320 : memref<512xf32, #tpu.memory_space<vmem>>)
    %dma_start3A_326 = arith.constant 24 : i32
    %dma_start3A_327 = arith.constant 24 : i32
    %dma_start3A_328 = arith.constant 0 : i32
    %dma_start3A_329 = tpu.memref_slice %arg7[%dma_start3A_327, %dma_start3A_328] : memref<32x512xf32, #tpu.memory_space<vmem>> -> memref<1x512xf32, #tpu.memory_space<vmem>>
    %dma_start3A_330 = tpu.memref_squeeze %dma_start3A_329 : memref<1x512xf32, #tpu.memory_space<vmem>> -> memref<512xf32, #tpu.memory_space<vmem>>
    %dma_start3A_331 = arith.constant 0 : i32
    %dma_start3A_332 = tpu.memref_slice %arg6[%dma_start3A_326, %dma_start3A_331] : memref<32x512xi32, #tpu.memory_space<vmem>> -> memref<1x512xi32, #tpu.memory_space<vmem>>
    %dma_start3A_333 = tpu.memref_squeeze %dma_start3A_332 : memref<1x512xi32, #tpu.memory_space<vmem>> -> memref<512xi32, #tpu.memory_space<vmem>>
    %dma_start3A_334 = arith.constant 0 : i32
    %dma_start3A_335 = tpu.memref_slice %arg3[%dma_start3A_334] : memref<3200032xf32, #tpu.memory_space<hbm>> -> memref<3200032xf32, #tpu.memory_space<hbm>>
    tpu.enqueue_indirect_dma source(%dma_start3A_335 : memref<3200032xf32, #tpu.memory_space<hbm>>) target(%dma_start3A_330 : memref<512xf32, #tpu.memory_space<vmem>>) offsets(%dma_start3A_333 : memref<512xi32, #tpu.memory_space<vmem>>) semaphore(%arg8 : memref<!tpu.dma_semaphore, #tpu.memory_space<semaphore_mem>>)
    %dma_wait3A_336 = arith.constant 8 : i32
    %dma_wait3A_337 = arith.constant 8 : i32
    %dma_wait3A_338 = arith.constant 0 : i32
    %dma_wait3A_339 = tpu.memref_slice %arg7[%dma_wait3A_337, %dma_wait3A_338] : memref<32x512xf32, #tpu.memory_space<vmem>> -> memref<1x512xf32, #tpu.memory_space<vmem>>
    %dma_wait3A_340 = tpu.memref_squeeze %dma_wait3A_339 : memref<1x512xf32, #tpu.memory_space<vmem>> -> memref<512xf32, #tpu.memory_space<vmem>>
    %dma_wait3A_341 = arith.constant 0 : i32
    %dma_wait3A_342 = tpu.memref_slice %arg6[%dma_wait3A_336, %dma_wait3A_341] : memref<32x512xi32, #tpu.memory_space<vmem>> -> memref<1x512xi32, #tpu.memory_space<vmem>>
    %dma_wait3A_343 = tpu.memref_squeeze %dma_wait3A_342 : memref<1x512xi32, #tpu.memory_space<vmem>> -> memref<512xi32, #tpu.memory_space<vmem>>
    %dma_wait3A_344 = arith.constant 0 : i32
    %dma_wait3A_345 = tpu.memref_slice %arg3[%dma_wait3A_344] : memref<3200032xf32, #tpu.memory_space<hbm>> -> memref<3200032xf32, #tpu.memory_space<hbm>>
    tpu.wait_indirect_dma semaphore(%arg8 : memref<!tpu.dma_semaphore, #tpu.memory_space<semaphore_mem>>) src(%dma_wait3A_345 : memref<3200032xf32, #tpu.memory_space<hbm>>) dst(%dma_wait3A_340 : memref<512xf32, #tpu.memory_space<vmem>>)
    %dma_start3A_346 = arith.constant 25 : i32
    %dma_start3A_347 = arith.constant 25 : i32
    %dma_start3A_348 = arith.constant 0 : i32
    %dma_start3A_349 = tpu.memref_slice %arg7[%dma_start3A_347, %dma_start3A_348] : memref<32x512xf32, #tpu.memory_space<vmem>> -> memref<1x512xf32, #tpu.memory_space<vmem>>
    %dma_start3A_350 = tpu.memref_squeeze %dma_start3A_349 : memref<1x512xf32, #tpu.memory_space<vmem>> -> memref<512xf32, #tpu.memory_space<vmem>>
    %dma_start3A_351 = arith.constant 0 : i32
    %dma_start3A_352 = tpu.memref_slice %arg6[%dma_start3A_346, %dma_start3A_351] : memref<32x512xi32, #tpu.memory_space<vmem>> -> memref<1x512xi32, #tpu.memory_space<vmem>>
    %dma_start3A_353 = tpu.memref_squeeze %dma_start3A_352 : memref<1x512xi32, #tpu.memory_space<vmem>> -> memref<512xi32, #tpu.memory_space<vmem>>
    %dma_start3A_354 = arith.constant 0 : i32
    %dma_start3A_355 = tpu.memref_slice %arg3[%dma_start3A_354] : memref<3200032xf32, #tpu.memory_space<hbm>> -> memref<3200032xf32, #tpu.memory_space<hbm>>
    tpu.enqueue_indirect_dma source(%dma_start3A_355 : memref<3200032xf32, #tpu.memory_space<hbm>>) target(%dma_start3A_350 : memref<512xf32, #tpu.memory_space<vmem>>) offsets(%dma_start3A_353 : memref<512xi32, #tpu.memory_space<vmem>>) semaphore(%arg8 : memref<!tpu.dma_semaphore, #tpu.memory_space<semaphore_mem>>)
    %dma_wait3A_356 = arith.constant 9 : i32
    %dma_wait3A_357 = arith.constant 9 : i32
    %dma_wait3A_358 = arith.constant 0 : i32
    %dma_wait3A_359 = tpu.memref_slice %arg7[%dma_wait3A_357, %dma_wait3A_358] : memref<32x512xf32, #tpu.memory_space<vmem>> -> memref<1x512xf32, #tpu.memory_space<vmem>>
    %dma_wait3A_360 = tpu.memref_squeeze %dma_wait3A_359 : memref<1x512xf32, #tpu.memory_space<vmem>> -> memref<512xf32, #tpu.memory_space<vmem>>
    %dma_wait3A_361 = arith.constant 0 : i32
    %dma_wait3A_362 = tpu.memref_slice %arg6[%dma_wait3A_356, %dma_wait3A_361] : memref<32x512xi32, #tpu.memory_space<vmem>> -> memref<1x512xi32, #tpu.memory_space<vmem>>
    %dma_wait3A_363 = tpu.memref_squeeze %dma_wait3A_362 : memref<1x512xi32, #tpu.memory_space<vmem>> -> memref<512xi32, #tpu.memory_space<vmem>>
    %dma_wait3A_364 = arith.constant 0 : i32
    %dma_wait3A_365 = tpu.memref_slice %arg3[%dma_wait3A_364] : memref<3200032xf32, #tpu.memory_space<hbm>> -> memref<3200032xf32, #tpu.memory_space<hbm>>
    tpu.wait_indirect_dma semaphore(%arg8 : memref<!tpu.dma_semaphore, #tpu.memory_space<semaphore_mem>>) src(%dma_wait3A_365 : memref<3200032xf32, #tpu.memory_space<hbm>>) dst(%dma_wait3A_360 : memref<512xf32, #tpu.memory_space<vmem>>)
    %dma_start3A_366 = arith.constant 26 : i32
    %dma_start3A_367 = arith.constant 26 : i32
    %dma_start3A_368 = arith.constant 0 : i32
    %dma_start3A_369 = tpu.memref_slice %arg7[%dma_start3A_367, %dma_start3A_368] : memref<32x512xf32, #tpu.memory_space<vmem>> -> memref<1x512xf32, #tpu.memory_space<vmem>>
    %dma_start3A_370 = tpu.memref_squeeze %dma_start3A_369 : memref<1x512xf32, #tpu.memory_space<vmem>> -> memref<512xf32, #tpu.memory_space<vmem>>
    %dma_start3A_371 = arith.constant 0 : i32
    %dma_start3A_372 = tpu.memref_slice %arg6[%dma_start3A_366, %dma_start3A_371] : memref<32x512xi32, #tpu.memory_space<vmem>> -> memref<1x512xi32, #tpu.memory_space<vmem>>
    %dma_start3A_373 = tpu.memref_squeeze %dma_start3A_372 : memref<1x512xi32, #tpu.memory_space<vmem>> -> memref<512xi32, #tpu.memory_space<vmem>>
    %dma_start3A_374 = arith.constant 0 : i32
    %dma_start3A_375 = tpu.memref_slice %arg3[%dma_start3A_374] : memref<3200032xf32, #tpu.memory_space<hbm>> -> memref<3200032xf32, #tpu.memory_space<hbm>>
    tpu.enqueue_indirect_dma source(%dma_start3A_375 : memref<3200032xf32, #tpu.memory_space<hbm>>) target(%dma_start3A_370 : memref<512xf32, #tpu.memory_space<vmem>>) offsets(%dma_start3A_373 : memref<512xi32, #tpu.memory_space<vmem>>) semaphore(%arg8 : memref<!tpu.dma_semaphore, #tpu.memory_space<semaphore_mem>>)
    %dma_wait3A_376 = arith.constant 10 : i32
    %dma_wait3A_377 = arith.constant 10 : i32
    %dma_wait3A_378 = arith.constant 0 : i32
    %dma_wait3A_379 = tpu.memref_slice %arg7[%dma_wait3A_377, %dma_wait3A_378] : memref<32x512xf32, #tpu.memory_space<vmem>> -> memref<1x512xf32, #tpu.memory_space<vmem>>
    %dma_wait3A_380 = tpu.memref_squeeze %dma_wait3A_379 : memref<1x512xf32, #tpu.memory_space<vmem>> -> memref<512xf32, #tpu.memory_space<vmem>>
    %dma_wait3A_381 = arith.constant 0 : i32
    %dma_wait3A_382 = tpu.memref_slice %arg6[%dma_wait3A_376, %dma_wait3A_381] : memref<32x512xi32, #tpu.memory_space<vmem>> -> memref<1x512xi32, #tpu.memory_space<vmem>>
    %dma_wait3A_383 = tpu.memref_squeeze %dma_wait3A_382 : memref<1x512xi32, #tpu.memory_space<vmem>> -> memref<512xi32, #tpu.memory_space<vmem>>
    %dma_wait3A_384 = arith.constant 0 : i32
    %dma_wait3A_385 = tpu.memref_slice %arg3[%dma_wait3A_384] : memref<3200032xf32, #tpu.memory_space<hbm>> -> memref<3200032xf32, #tpu.memory_space<hbm>>
    tpu.wait_indirect_dma semaphore(%arg8 : memref<!tpu.dma_semaphore, #tpu.memory_space<semaphore_mem>>) src(%dma_wait3A_385 : memref<3200032xf32, #tpu.memory_space<hbm>>) dst(%dma_wait3A_380 : memref<512xf32, #tpu.memory_space<vmem>>)
    %dma_start3A_386 = arith.constant 27 : i32
    %dma_start3A_387 = arith.constant 27 : i32
    %dma_start3A_388 = arith.constant 0 : i32
    %dma_start3A_389 = tpu.memref_slice %arg7[%dma_start3A_387, %dma_start3A_388] : memref<32x512xf32, #tpu.memory_space<vmem>> -> memref<1x512xf32, #tpu.memory_space<vmem>>
    %dma_start3A_390 = tpu.memref_squeeze %dma_start3A_389 : memref<1x512xf32, #tpu.memory_space<vmem>> -> memref<512xf32, #tpu.memory_space<vmem>>
    %dma_start3A_391 = arith.constant 0 : i32
    %dma_start3A_392 = tpu.memref_slice %arg6[%dma_start3A_386, %dma_start3A_391] : memref<32x512xi32, #tpu.memory_space<vmem>> -> memref<1x512xi32, #tpu.memory_space<vmem>>
    %dma_start3A_393 = tpu.memref_squeeze %dma_start3A_392 : memref<1x512xi32, #tpu.memory_space<vmem>> -> memref<512xi32, #tpu.memory_space<vmem>>
    %dma_start3A_394 = arith.constant 0 : i32
    %dma_start3A_395 = tpu.memref_slice %arg3[%dma_start3A_394] : memref<3200032xf32, #tpu.memory_space<hbm>> -> memref<3200032xf32, #tpu.memory_space<hbm>>
    tpu.enqueue_indirect_dma source(%dma_start3A_395 : memref<3200032xf32, #tpu.memory_space<hbm>>) target(%dma_start3A_390 : memref<512xf32, #tpu.memory_space<vmem>>) offsets(%dma_start3A_393 : memref<512xi32, #tpu.memory_space<vmem>>) semaphore(%arg8 : memref<!tpu.dma_semaphore, #tpu.memory_space<semaphore_mem>>)
    %dma_wait3A_396 = arith.constant 11 : i32
    %dma_wait3A_397 = arith.constant 11 : i32
    %dma_wait3A_398 = arith.constant 0 : i32
    %dma_wait3A_399 = tpu.memref_slice %arg7[%dma_wait3A_397, %dma_wait3A_398] : memref<32x512xf32, #tpu.memory_space<vmem>> -> memref<1x512xf32, #tpu.memory_space<vmem>>
    %dma_wait3A_400 = tpu.memref_squeeze %dma_wait3A_399 : memref<1x512xf32, #tpu.memory_space<vmem>> -> memref<512xf32, #tpu.memory_space<vmem>>
    %dma_wait3A_401 = arith.constant 0 : i32
    %dma_wait3A_402 = tpu.memref_slice %arg6[%dma_wait3A_396, %dma_wait3A_401] : memref<32x512xi32, #tpu.memory_space<vmem>> -> memref<1x512xi32, #tpu.memory_space<vmem>>
    %dma_wait3A_403 = tpu.memref_squeeze %dma_wait3A_402 : memref<1x512xi32, #tpu.memory_space<vmem>> -> memref<512xi32, #tpu.memory_space<vmem>>
    %dma_wait3A_404 = arith.constant 0 : i32
    %dma_wait3A_405 = tpu.memref_slice %arg3[%dma_wait3A_404] : memref<3200032xf32, #tpu.memory_space<hbm>> -> memref<3200032xf32, #tpu.memory_space<hbm>>
    tpu.wait_indirect_dma semaphore(%arg8 : memref<!tpu.dma_semaphore, #tpu.memory_space<semaphore_mem>>) src(%dma_wait3A_405 : memref<3200032xf32, #tpu.memory_space<hbm>>) dst(%dma_wait3A_400 : memref<512xf32, #tpu.memory_space<vmem>>)
    %dma_start3A_406 = arith.constant 28 : i32
    %dma_start3A_407 = arith.constant 28 : i32
    %dma_start3A_408 = arith.constant 0 : i32
    %dma_start3A_409 = tpu.memref_slice %arg7[%dma_start3A_407, %dma_start3A_408] : memref<32x512xf32, #tpu.memory_space<vmem>> -> memref<1x512xf32, #tpu.memory_space<vmem>>
    %dma_start3A_410 = tpu.memref_squeeze %dma_start3A_409 : memref<1x512xf32, #tpu.memory_space<vmem>> -> memref<512xf32, #tpu.memory_space<vmem>>
    %dma_start3A_411 = arith.constant 0 : i32
    %dma_start3A_412 = tpu.memref_slice %arg6[%dma_start3A_406, %dma_start3A_411] : memref<32x512xi32, #tpu.memory_space<vmem>> -> memref<1x512xi32, #tpu.memory_space<vmem>>
    %dma_start3A_413 = tpu.memref_squeeze %dma_start3A_412 : memref<1x512xi32, #tpu.memory_space<vmem>> -> memref<512xi32, #tpu.memory_space<vmem>>
    %dma_start3A_414 = arith.constant 0 : i32
    %dma_start3A_415 = tpu.memref_slice %arg3[%dma_start3A_414] : memref<3200032xf32, #tpu.memory_space<hbm>> -> memref<3200032xf32, #tpu.memory_space<hbm>>
    tpu.enqueue_indirect_dma source(%dma_start3A_415 : memref<3200032xf32, #tpu.memory_space<hbm>>) target(%dma_start3A_410 : memref<512xf32, #tpu.memory_space<vmem>>) offsets(%dma_start3A_413 : memref<512xi32, #tpu.memory_space<vmem>>) semaphore(%arg8 : memref<!tpu.dma_semaphore, #tpu.memory_space<semaphore_mem>>)
    %dma_wait3A_416 = arith.constant 12 : i32
    %dma_wait3A_417 = arith.constant 12 : i32
    %dma_wait3A_418 = arith.constant 0 : i32
    %dma_wait3A_419 = tpu.memref_slice %arg7[%dma_wait3A_417, %dma_wait3A_418] : memref<32x512xf32, #tpu.memory_space<vmem>> -> memref<1x512xf32, #tpu.memory_space<vmem>>
    %dma_wait3A_420 = tpu.memref_squeeze %dma_wait3A_419 : memref<1x512xf32, #tpu.memory_space<vmem>> -> memref<512xf32, #tpu.memory_space<vmem>>
    %dma_wait3A_421 = arith.constant 0 : i32
    %dma_wait3A_422 = tpu.memref_slice %arg6[%dma_wait3A_416, %dma_wait3A_421] : memref<32x512xi32, #tpu.memory_space<vmem>> -> memref<1x512xi32, #tpu.memory_space<vmem>>
    %dma_wait3A_423 = tpu.memref_squeeze %dma_wait3A_422 : memref<1x512xi32, #tpu.memory_space<vmem>> -> memref<512xi32, #tpu.memory_space<vmem>>
    %dma_wait3A_424 = arith.constant 0 : i32
    %dma_wait3A_425 = tpu.memref_slice %arg3[%dma_wait3A_424] : memref<3200032xf32, #tpu.memory_space<hbm>> -> memref<3200032xf32, #tpu.memory_space<hbm>>
    tpu.wait_indirect_dma semaphore(%arg8 : memref<!tpu.dma_semaphore, #tpu.memory_space<semaphore_mem>>) src(%dma_wait3A_425 : memref<3200032xf32, #tpu.memory_space<hbm>>) dst(%dma_wait3A_420 : memref<512xf32, #tpu.memory_space<vmem>>)
    %dma_start3A_426 = arith.constant 29 : i32
    %dma_start3A_427 = arith.constant 29 : i32
    %dma_start3A_428 = arith.constant 0 : i32
    %dma_start3A_429 = tpu.memref_slice %arg7[%dma_start3A_427, %dma_start3A_428] : memref<32x512xf32, #tpu.memory_space<vmem>> -> memref<1x512xf32, #tpu.memory_space<vmem>>
    %dma_start3A_430 = tpu.memref_squeeze %dma_start3A_429 : memref<1x512xf32, #tpu.memory_space<vmem>> -> memref<512xf32, #tpu.memory_space<vmem>>
    %dma_start3A_431 = arith.constant 0 : i32
    %dma_start3A_432 = tpu.memref_slice %arg6[%dma_start3A_426, %dma_start3A_431] : memref<32x512xi32, #tpu.memory_space<vmem>> -> memref<1x512xi32, #tpu.memory_space<vmem>>
    %dma_start3A_433 = tpu.memref_squeeze %dma_start3A_432 : memref<1x512xi32, #tpu.memory_space<vmem>> -> memref<512xi32, #tpu.memory_space<vmem>>
    %dma_start3A_434 = arith.constant 0 : i32
    %dma_start3A_435 = tpu.memref_slice %arg3[%dma_start3A_434] : memref<3200032xf32, #tpu.memory_space<hbm>> -> memref<3200032xf32, #tpu.memory_space<hbm>>
    tpu.enqueue_indirect_dma source(%dma_start3A_435 : memref<3200032xf32, #tpu.memory_space<hbm>>) target(%dma_start3A_430 : memref<512xf32, #tpu.memory_space<vmem>>) offsets(%dma_start3A_433 : memref<512xi32, #tpu.memory_space<vmem>>) semaphore(%arg8 : memref<!tpu.dma_semaphore, #tpu.memory_space<semaphore_mem>>)
    %dma_wait3A_436 = arith.constant 13 : i32
    %dma_wait3A_437 = arith.constant 13 : i32
    %dma_wait3A_438 = arith.constant 0 : i32
    %dma_wait3A_439 = tpu.memref_slice %arg7[%dma_wait3A_437, %dma_wait3A_438] : memref<32x512xf32, #tpu.memory_space<vmem>> -> memref<1x512xf32, #tpu.memory_space<vmem>>
    %dma_wait3A_440 = tpu.memref_squeeze %dma_wait3A_439 : memref<1x512xf32, #tpu.memory_space<vmem>> -> memref<512xf32, #tpu.memory_space<vmem>>
    %dma_wait3A_441 = arith.constant 0 : i32
    %dma_wait3A_442 = tpu.memref_slice %arg6[%dma_wait3A_436, %dma_wait3A_441] : memref<32x512xi32, #tpu.memory_space<vmem>> -> memref<1x512xi32, #tpu.memory_space<vmem>>
    %dma_wait3A_443 = tpu.memref_squeeze %dma_wait3A_442 : memref<1x512xi32, #tpu.memory_space<vmem>> -> memref<512xi32, #tpu.memory_space<vmem>>
    %dma_wait3A_444 = arith.constant 0 : i32
    %dma_wait3A_445 = tpu.memref_slice %arg3[%dma_wait3A_444] : memref<3200032xf32, #tpu.memory_space<hbm>> -> memref<3200032xf32, #tpu.memory_space<hbm>>
    tpu.wait_indirect_dma semaphore(%arg8 : memref<!tpu.dma_semaphore, #tpu.memory_space<semaphore_mem>>) src(%dma_wait3A_445 : memref<3200032xf32, #tpu.memory_space<hbm>>) dst(%dma_wait3A_440 : memref<512xf32, #tpu.memory_space<vmem>>)
    %dma_start3A_446 = arith.constant 30 : i32
    %dma_start3A_447 = arith.constant 30 : i32
    %dma_start3A_448 = arith.constant 0 : i32
    %dma_start3A_449 = tpu.memref_slice %arg7[%dma_start3A_447, %dma_start3A_448] : memref<32x512xf32, #tpu.memory_space<vmem>> -> memref<1x512xf32, #tpu.memory_space<vmem>>
    %dma_start3A_450 = tpu.memref_squeeze %dma_start3A_449 : memref<1x512xf32, #tpu.memory_space<vmem>> -> memref<512xf32, #tpu.memory_space<vmem>>
    %dma_start3A_451 = arith.constant 0 : i32
    %dma_start3A_452 = tpu.memref_slice %arg6[%dma_start3A_446, %dma_start3A_451] : memref<32x512xi32, #tpu.memory_space<vmem>> -> memref<1x512xi32, #tpu.memory_space<vmem>>
    %dma_start3A_453 = tpu.memref_squeeze %dma_start3A_452 : memref<1x512xi32, #tpu.memory_space<vmem>> -> memref<512xi32, #tpu.memory_space<vmem>>
    %dma_start3A_454 = arith.constant 0 : i32
    %dma_start3A_455 = tpu.memref_slice %arg3[%dma_start3A_454] : memref<3200032xf32, #tpu.memory_space<hbm>> -> memref<3200032xf32, #tpu.memory_space<hbm>>
    tpu.enqueue_indirect_dma source(%dma_start3A_455 : memref<3200032xf32, #tpu.memory_space<hbm>>) target(%dma_start3A_450 : memref<512xf32, #tpu.memory_space<vmem>>) offsets(%dma_start3A_453 : memref<512xi32, #tpu.memory_space<vmem>>) semaphore(%arg8 : memref<!tpu.dma_semaphore, #tpu.memory_space<semaphore_mem>>)
    %dma_wait3A_456 = arith.constant 14 : i32
    %dma_wait3A_457 = arith.constant 14 : i32
    %dma_wait3A_458 = arith.constant 0 : i32
    %dma_wait3A_459 = tpu.memref_slice %arg7[%dma_wait3A_457, %dma_wait3A_458] : memref<32x512xf32, #tpu.memory_space<vmem>> -> memref<1x512xf32, #tpu.memory_space<vmem>>
    %dma_wait3A_460 = tpu.memref_squeeze %dma_wait3A_459 : memref<1x512xf32, #tpu.memory_space<vmem>> -> memref<512xf32, #tpu.memory_space<vmem>>
    %dma_wait3A_461 = arith.constant 0 : i32
    %dma_wait3A_462 = tpu.memref_slice %arg6[%dma_wait3A_456, %dma_wait3A_461] : memref<32x512xi32, #tpu.memory_space<vmem>> -> memref<1x512xi32, #tpu.memory_space<vmem>>
    %dma_wait3A_463 = tpu.memref_squeeze %dma_wait3A_462 : memref<1x512xi32, #tpu.memory_space<vmem>> -> memref<512xi32, #tpu.memory_space<vmem>>
    %dma_wait3A_464 = arith.constant 0 : i32
    %dma_wait3A_465 = tpu.memref_slice %arg3[%dma_wait3A_464] : memref<3200032xf32, #tpu.memory_space<hbm>> -> memref<3200032xf32, #tpu.memory_space<hbm>>
    tpu.wait_indirect_dma semaphore(%arg8 : memref<!tpu.dma_semaphore, #tpu.memory_space<semaphore_mem>>) src(%dma_wait3A_465 : memref<3200032xf32, #tpu.memory_space<hbm>>) dst(%dma_wait3A_460 : memref<512xf32, #tpu.memory_space<vmem>>)
    %dma_start3A_466 = arith.constant 31 : i32
    %dma_start3A_467 = arith.constant 31 : i32
    %dma_start3A_468 = arith.constant 0 : i32
    %dma_start3A_469 = tpu.memref_slice %arg7[%dma_start3A_467, %dma_start3A_468] : memref<32x512xf32, #tpu.memory_space<vmem>> -> memref<1x512xf32, #tpu.memory_space<vmem>>
    %dma_start3A_470 = tpu.memref_squeeze %dma_start3A_469 : memref<1x512xf32, #tpu.memory_space<vmem>> -> memref<512xf32, #tpu.memory_space<vmem>>
    %dma_start3A_471 = arith.constant 0 : i32
    %dma_start3A_472 = tpu.memref_slice %arg6[%dma_start3A_466, %dma_start3A_471] : memref<32x512xi32, #tpu.memory_space<vmem>> -> memref<1x512xi32, #tpu.memory_space<vmem>>
    %dma_start3A_473 = tpu.memref_squeeze %dma_start3A_472 : memref<1x512xi32, #tpu.memory_space<vmem>> -> memref<512xi32, #tpu.memory_space<vmem>>
    %dma_start3A_474 = arith.constant 0 : i32
    %dma_start3A_475 = tpu.memref_slice %arg3[%dma_start3A_474] : memref<3200032xf32, #tpu.memory_space<hbm>> -> memref<3200032xf32, #tpu.memory_space<hbm>>
    tpu.enqueue_indirect_dma source(%dma_start3A_475 : memref<3200032xf32, #tpu.memory_space<hbm>>) target(%dma_start3A_470 : memref<512xf32, #tpu.memory_space<vmem>>) offsets(%dma_start3A_473 : memref<512xi32, #tpu.memory_space<vmem>>) semaphore(%arg8 : memref<!tpu.dma_semaphore, #tpu.memory_space<semaphore_mem>>)
    %dma_wait3A_476 = arith.constant 15 : i32
    %dma_wait3A_477 = arith.constant 15 : i32
    %dma_wait3A_478 = arith.constant 0 : i32
    %dma_wait3A_479 = tpu.memref_slice %arg7[%dma_wait3A_477, %dma_wait3A_478] : memref<32x512xf32, #tpu.memory_space<vmem>> -> memref<1x512xf32, #tpu.memory_space<vmem>>
    %dma_wait3A_480 = tpu.memref_squeeze %dma_wait3A_479 : memref<1x512xf32, #tpu.memory_space<vmem>> -> memref<512xf32, #tpu.memory_space<vmem>>
    %dma_wait3A_481 = arith.constant 0 : i32
    %dma_wait3A_482 = tpu.memref_slice %arg6[%dma_wait3A_476, %dma_wait3A_481] : memref<32x512xi32, #tpu.memory_space<vmem>> -> memref<1x512xi32, #tpu.memory_space<vmem>>
    %dma_wait3A_483 = tpu.memref_squeeze %dma_wait3A_482 : memref<1x512xi32, #tpu.memory_space<vmem>> -> memref<512xi32, #tpu.memory_space<vmem>>
    %dma_wait3A_484 = arith.constant 0 : i32
    %dma_wait3A_485 = tpu.memref_slice %arg3[%dma_wait3A_484] : memref<3200032xf32, #tpu.memory_space<hbm>> -> memref<3200032xf32, #tpu.memory_space<hbm>>
    tpu.wait_indirect_dma semaphore(%arg8 : memref<!tpu.dma_semaphore, #tpu.memory_space<semaphore_mem>>) src(%dma_wait3A_485 : memref<3200032xf32, #tpu.memory_space<hbm>>) dst(%dma_wait3A_480 : memref<512xf32, #tpu.memory_space<vmem>>)
    %dma_wait3A_486 = arith.constant 16 : i32
    %dma_wait3A_487 = arith.constant 16 : i32
    %dma_wait3A_488 = arith.constant 0 : i32
    %dma_wait3A_489 = tpu.memref_slice %arg7[%dma_wait3A_487, %dma_wait3A_488] : memref<32x512xf32, #tpu.memory_space<vmem>> -> memref<1x512xf32, #tpu.memory_space<vmem>>
    %dma_wait3A_490 = tpu.memref_squeeze %dma_wait3A_489 : memref<1x512xf32, #tpu.memory_space<vmem>> -> memref<512xf32, #tpu.memory_space<vmem>>
    %dma_wait3A_491 = arith.constant 0 : i32
    %dma_wait3A_492 = tpu.memref_slice %arg6[%dma_wait3A_486, %dma_wait3A_491] : memref<32x512xi32, #tpu.memory_space<vmem>> -> memref<1x512xi32, #tpu.memory_space<vmem>>
    %dma_wait3A_493 = tpu.memref_squeeze %dma_wait3A_492 : memref<1x512xi32, #tpu.memory_space<vmem>> -> memref<512xi32, #tpu.memory_space<vmem>>
    %dma_wait3A_494 = arith.constant 0 : i32
    %dma_wait3A_495 = tpu.memref_slice %arg3[%dma_wait3A_494] : memref<3200032xf32, #tpu.memory_space<hbm>> -> memref<3200032xf32, #tpu.memory_space<hbm>>
    tpu.wait_indirect_dma semaphore(%arg8 : memref<!tpu.dma_semaphore, #tpu.memory_space<semaphore_mem>>) src(%dma_wait3A_495 : memref<3200032xf32, #tpu.memory_space<hbm>>) dst(%dma_wait3A_490 : memref<512xf32, #tpu.memory_space<vmem>>)
    %dma_wait3A_496 = arith.constant 17 : i32
    %dma_wait3A_497 = arith.constant 17 : i32
    %dma_wait3A_498 = arith.constant 0 : i32
    %dma_wait3A_499 = tpu.memref_slice %arg7[%dma_wait3A_497, %dma_wait3A_498] : memref<32x512xf32, #tpu.memory_space<vmem>> -> memref<1x512xf32, #tpu.memory_space<vmem>>
    %dma_wait3A_500 = tpu.memref_squeeze %dma_wait3A_499 : memref<1x512xf32, #tpu.memory_space<vmem>> -> memref<512xf32, #tpu.memory_space<vmem>>
    %dma_wait3A_501 = arith.constant 0 : i32
    %dma_wait3A_502 = tpu.memref_slice %arg6[%dma_wait3A_496, %dma_wait3A_501] : memref<32x512xi32, #tpu.memory_space<vmem>> -> memref<1x512xi32, #tpu.memory_space<vmem>>
    %dma_wait3A_503 = tpu.memref_squeeze %dma_wait3A_502 : memref<1x512xi32, #tpu.memory_space<vmem>> -> memref<512xi32, #tpu.memory_space<vmem>>
    %dma_wait3A_504 = arith.constant 0 : i32
    %dma_wait3A_505 = tpu.memref_slice %arg3[%dma_wait3A_504] : memref<3200032xf32, #tpu.memory_space<hbm>> -> memref<3200032xf32, #tpu.memory_space<hbm>>
    tpu.wait_indirect_dma semaphore(%arg8 : memref<!tpu.dma_semaphore, #tpu.memory_space<semaphore_mem>>) src(%dma_wait3A_505 : memref<3200032xf32, #tpu.memory_space<hbm>>) dst(%dma_wait3A_500 : memref<512xf32, #tpu.memory_space<vmem>>)
    %dma_wait3A_506 = arith.constant 18 : i32
    %dma_wait3A_507 = arith.constant 18 : i32
    %dma_wait3A_508 = arith.constant 0 : i32
    %dma_wait3A_509 = tpu.memref_slice %arg7[%dma_wait3A_507, %dma_wait3A_508] : memref<32x512xf32, #tpu.memory_space<vmem>> -> memref<1x512xf32, #tpu.memory_space<vmem>>
    %dma_wait3A_510 = tpu.memref_squeeze %dma_wait3A_509 : memref<1x512xf32, #tpu.memory_space<vmem>> -> memref<512xf32, #tpu.memory_space<vmem>>
    %dma_wait3A_511 = arith.constant 0 : i32
    %dma_wait3A_512 = tpu.memref_slice %arg6[%dma_wait3A_506, %dma_wait3A_511] : memref<32x512xi32, #tpu.memory_space<vmem>> -> memref<1x512xi32, #tpu.memory_space<vmem>>
    %dma_wait3A_513 = tpu.memref_squeeze %dma_wait3A_512 : memref<1x512xi32, #tpu.memory_space<vmem>> -> memref<512xi32, #tpu.memory_space<vmem>>
    %dma_wait3A_514 = arith.constant 0 : i32
    %dma_wait3A_515 = tpu.memref_slice %arg3[%dma_wait3A_514] : memref<3200032xf32, #tpu.memory_space<hbm>> -> memref<3200032xf32, #tpu.memory_space<hbm>>
    tpu.wait_indirect_dma semaphore(%arg8 : memref<!tpu.dma_semaphore, #tpu.memory_space<semaphore_mem>>) src(%dma_wait3A_515 : memref<3200032xf32, #tpu.memory_space<hbm>>) dst(%dma_wait3A_510 : memref<512xf32, #tpu.memory_space<vmem>>)
    %dma_wait3A_516 = arith.constant 19 : i32
    %dma_wait3A_517 = arith.constant 19 : i32
    %dma_wait3A_518 = arith.constant 0 : i32
    %dma_wait3A_519 = tpu.memref_slice %arg7[%dma_wait3A_517, %dma_wait3A_518] : memref<32x512xf32, #tpu.memory_space<vmem>> -> memref<1x512xf32, #tpu.memory_space<vmem>>
    %dma_wait3A_520 = tpu.memref_squeeze %dma_wait3A_519 : memref<1x512xf32, #tpu.memory_space<vmem>> -> memref<512xf32, #tpu.memory_space<vmem>>
    %dma_wait3A_521 = arith.constant 0 : i32
    %dma_wait3A_522 = tpu.memref_slice %arg6[%dma_wait3A_516, %dma_wait3A_521] : memref<32x512xi32, #tpu.memory_space<vmem>> -> memref<1x512xi32, #tpu.memory_space<vmem>>
    %dma_wait3A_523 = tpu.memref_squeeze %dma_wait3A_522 : memref<1x512xi32, #tpu.memory_space<vmem>> -> memref<512xi32, #tpu.memory_space<vmem>>
    %dma_wait3A_524 = arith.constant 0 : i32
    %dma_wait3A_525 = tpu.memref_slice %arg3[%dma_wait3A_524] : memref<3200032xf32, #tpu.memory_space<hbm>> -> memref<3200032xf32, #tpu.memory_space<hbm>>
    tpu.wait_indirect_dma semaphore(%arg8 : memref<!tpu.dma_semaphore, #tpu.memory_space<semaphore_mem>>) src(%dma_wait3A_525 : memref<3200032xf32, #tpu.memory_space<hbm>>) dst(%dma_wait3A_520 : memref<512xf32, #tpu.memory_space<vmem>>)
    %dma_wait3A_526 = arith.constant 20 : i32
    %dma_wait3A_527 = arith.constant 20 : i32
    %dma_wait3A_528 = arith.constant 0 : i32
    %dma_wait3A_529 = tpu.memref_slice %arg7[%dma_wait3A_527, %dma_wait3A_528] : memref<32x512xf32, #tpu.memory_space<vmem>> -> memref<1x512xf32, #tpu.memory_space<vmem>>
    %dma_wait3A_530 = tpu.memref_squeeze %dma_wait3A_529 : memref<1x512xf32, #tpu.memory_space<vmem>> -> memref<512xf32, #tpu.memory_space<vmem>>
    %dma_wait3A_531 = arith.constant 0 : i32
    %dma_wait3A_532 = tpu.memref_slice %arg6[%dma_wait3A_526, %dma_wait3A_531] : memref<32x512xi32, #tpu.memory_space<vmem>> -> memref<1x512xi32, #tpu.memory_space<vmem>>
    %dma_wait3A_533 = tpu.memref_squeeze %dma_wait3A_532 : memref<1x512xi32, #tpu.memory_space<vmem>> -> memref<512xi32, #tpu.memory_space<vmem>>
    %dma_wait3A_534 = arith.constant 0 : i32
    %dma_wait3A_535 = tpu.memref_slice %arg3[%dma_wait3A_534] : memref<3200032xf32, #tpu.memory_space<hbm>> -> memref<3200032xf32, #tpu.memory_space<hbm>>
    tpu.wait_indirect_dma semaphore(%arg8 : memref<!tpu.dma_semaphore, #tpu.memory_space<semaphore_mem>>) src(%dma_wait3A_535 : memref<3200032xf32, #tpu.memory_space<hbm>>) dst(%dma_wait3A_530 : memref<512xf32, #tpu.memory_space<vmem>>)
    %dma_wait3A_536 = arith.constant 21 : i32
    %dma_wait3A_537 = arith.constant 21 : i32
    %dma_wait3A_538 = arith.constant 0 : i32
    %dma_wait3A_539 = tpu.memref_slice %arg7[%dma_wait3A_537, %dma_wait3A_538] : memref<32x512xf32, #tpu.memory_space<vmem>> -> memref<1x512xf32, #tpu.memory_space<vmem>>
    %dma_wait3A_540 = tpu.memref_squeeze %dma_wait3A_539 : memref<1x512xf32, #tpu.memory_space<vmem>> -> memref<512xf32, #tpu.memory_space<vmem>>
    %dma_wait3A_541 = arith.constant 0 : i32
    %dma_wait3A_542 = tpu.memref_slice %arg6[%dma_wait3A_536, %dma_wait3A_541] : memref<32x512xi32, #tpu.memory_space<vmem>> -> memref<1x512xi32, #tpu.memory_space<vmem>>
    %dma_wait3A_543 = tpu.memref_squeeze %dma_wait3A_542 : memref<1x512xi32, #tpu.memory_space<vmem>> -> memref<512xi32, #tpu.memory_space<vmem>>
    %dma_wait3A_544 = arith.constant 0 : i32
    %dma_wait3A_545 = tpu.memref_slice %arg3[%dma_wait3A_544] : memref<3200032xf32, #tpu.memory_space<hbm>> -> memref<3200032xf32, #tpu.memory_space<hbm>>
    tpu.wait_indirect_dma semaphore(%arg8 : memref<!tpu.dma_semaphore, #tpu.memory_space<semaphore_mem>>) src(%dma_wait3A_545 : memref<3200032xf32, #tpu.memory_space<hbm>>) dst(%dma_wait3A_540 : memref<512xf32, #tpu.memory_space<vmem>>)
    %dma_wait3A_546 = arith.constant 22 : i32
    %dma_wait3A_547 = arith.constant 22 : i32
    %dma_wait3A_548 = arith.constant 0 : i32
    %dma_wait3A_549 = tpu.memref_slice %arg7[%dma_wait3A_547, %dma_wait3A_548] : memref<32x512xf32, #tpu.memory_space<vmem>> -> memref<1x512xf32, #tpu.memory_space<vmem>>
    %dma_wait3A_550 = tpu.memref_squeeze %dma_wait3A_549 : memref<1x512xf32, #tpu.memory_space<vmem>> -> memref<512xf32, #tpu.memory_space<vmem>>
    %dma_wait3A_551 = arith.constant 0 : i32
    %dma_wait3A_552 = tpu.memref_slice %arg6[%dma_wait3A_546, %dma_wait3A_551] : memref<32x512xi32, #tpu.memory_space<vmem>> -> memref<1x512xi32, #tpu.memory_space<vmem>>
    %dma_wait3A_553 = tpu.memref_squeeze %dma_wait3A_552 : memref<1x512xi32, #tpu.memory_space<vmem>> -> memref<512xi32, #tpu.memory_space<vmem>>
    %dma_wait3A_554 = arith.constant 0 : i32
    %dma_wait3A_555 = tpu.memref_slice %arg3[%dma_wait3A_554] : memref<3200032xf32, #tpu.memory_space<hbm>> -> memref<3200032xf32, #tpu.memory_space<hbm>>
    tpu.wait_indirect_dma semaphore(%arg8 : memref<!tpu.dma_semaphore, #tpu.memory_space<semaphore_mem>>) src(%dma_wait3A_555 : memref<3200032xf32, #tpu.memory_space<hbm>>) dst(%dma_wait3A_550 : memref<512xf32, #tpu.memory_space<vmem>>)
    %dma_wait3A_556 = arith.constant 23 : i32
    %dma_wait3A_557 = arith.constant 23 : i32
    %dma_wait3A_558 = arith.constant 0 : i32
    %dma_wait3A_559 = tpu.memref_slice %arg7[%dma_wait3A_557, %dma_wait3A_558] : memref<32x512xf32, #tpu.memory_space<vmem>> -> memref<1x512xf32, #tpu.memory_space<vmem>>
    %dma_wait3A_560 = tpu.memref_squeeze %dma_wait3A_559 : memref<1x512xf32, #tpu.memory_space<vmem>> -> memref<512xf32, #tpu.memory_space<vmem>>
    %dma_wait3A_561 = arith.constant 0 : i32
    %dma_wait3A_562 = tpu.memref_slice %arg6[%dma_wait3A_556, %dma_wait3A_561] : memref<32x512xi32, #tpu.memory_space<vmem>> -> memref<1x512xi32, #tpu.memory_space<vmem>>
    %dma_wait3A_563 = tpu.memref_squeeze %dma_wait3A_562 : memref<1x512xi32, #tpu.memory_space<vmem>> -> memref<512xi32, #tpu.memory_space<vmem>>
    %dma_wait3A_564 = arith.constant 0 : i32
    %dma_wait3A_565 = tpu.memref_slice %arg3[%dma_wait3A_564] : memref<3200032xf32, #tpu.memory_space<hbm>> -> memref<3200032xf32, #tpu.memory_space<hbm>>
    tpu.wait_indirect_dma semaphore(%arg8 : memref<!tpu.dma_semaphore, #tpu.memory_space<semaphore_mem>>) src(%dma_wait3A_565 : memref<3200032xf32, #tpu.memory_space<hbm>>) dst(%dma_wait3A_560 : memref<512xf32, #tpu.memory_space<vmem>>)
    %dma_wait3A_566 = arith.constant 24 : i32
    %dma_wait3A_567 = arith.constant 24 : i32
    %dma_wait3A_568 = arith.constant 0 : i32
    %dma_wait3A_569 = tpu.memref_slice %arg7[%dma_wait3A_567, %dma_wait3A_568] : memref<32x512xf32, #tpu.memory_space<vmem>> -> memref<1x512xf32, #tpu.memory_space<vmem>>
    %dma_wait3A_570 = tpu.memref_squeeze %dma_wait3A_569 : memref<1x512xf32, #tpu.memory_space<vmem>> -> memref<512xf32, #tpu.memory_space<vmem>>
    %dma_wait3A_571 = arith.constant 0 : i32
    %dma_wait3A_572 = tpu.memref_slice %arg6[%dma_wait3A_566, %dma_wait3A_571] : memref<32x512xi32, #tpu.memory_space<vmem>> -> memref<1x512xi32, #tpu.memory_space<vmem>>
    %dma_wait3A_573 = tpu.memref_squeeze %dma_wait3A_572 : memref<1x512xi32, #tpu.memory_space<vmem>> -> memref<512xi32, #tpu.memory_space<vmem>>
    %dma_wait3A_574 = arith.constant 0 : i32
    %dma_wait3A_575 = tpu.memref_slice %arg3[%dma_wait3A_574] : memref<3200032xf32, #tpu.memory_space<hbm>> -> memref<3200032xf32, #tpu.memory_space<hbm>>
    tpu.wait_indirect_dma semaphore(%arg8 : memref<!tpu.dma_semaphore, #tpu.memory_space<semaphore_mem>>) src(%dma_wait3A_575 : memref<3200032xf32, #tpu.memory_space<hbm>>) dst(%dma_wait3A_570 : memref<512xf32, #tpu.memory_space<vmem>>)
    %dma_wait3A_576 = arith.constant 25 : i32
    %dma_wait3A_577 = arith.constant 25 : i32
    %dma_wait3A_578 = arith.constant 0 : i32
    %dma_wait3A_579 = tpu.memref_slice %arg7[%dma_wait3A_577, %dma_wait3A_578] : memref<32x512xf32, #tpu.memory_space<vmem>> -> memref<1x512xf32, #tpu.memory_space<vmem>>
    %dma_wait3A_580 = tpu.memref_squeeze %dma_wait3A_579 : memref<1x512xf32, #tpu.memory_space<vmem>> -> memref<512xf32, #tpu.memory_space<vmem>>
    %dma_wait3A_581 = arith.constant 0 : i32
    %dma_wait3A_582 = tpu.memref_slice %arg6[%dma_wait3A_576, %dma_wait3A_581] : memref<32x512xi32, #tpu.memory_space<vmem>> -> memref<1x512xi32, #tpu.memory_space<vmem>>
    %dma_wait3A_583 = tpu.memref_squeeze %dma_wait3A_582 : memref<1x512xi32, #tpu.memory_space<vmem>> -> memref<512xi32, #tpu.memory_space<vmem>>
    %dma_wait3A_584 = arith.constant 0 : i32
    %dma_wait3A_585 = tpu.memref_slice %arg3[%dma_wait3A_584] : memref<3200032xf32, #tpu.memory_space<hbm>> -> memref<3200032xf32, #tpu.memory_space<hbm>>
    tpu.wait_indirect_dma semaphore(%arg8 : memref<!tpu.dma_semaphore, #tpu.memory_space<semaphore_mem>>) src(%dma_wait3A_585 : memref<3200032xf32, #tpu.memory_space<hbm>>) dst(%dma_wait3A_580 : memref<512xf32, #tpu.memory_space<vmem>>)
    %dma_wait3A_586 = arith.constant 26 : i32
    %dma_wait3A_587 = arith.constant 26 : i32
    %dma_wait3A_588 = arith.constant 0 : i32
    %dma_wait3A_589 = tpu.memref_slice %arg7[%dma_wait3A_587, %dma_wait3A_588] : memref<32x512xf32, #tpu.memory_space<vmem>> -> memref<1x512xf32, #tpu.memory_space<vmem>>
    %dma_wait3A_590 = tpu.memref_squeeze %dma_wait3A_589 : memref<1x512xf32, #tpu.memory_space<vmem>> -> memref<512xf32, #tpu.memory_space<vmem>>
    %dma_wait3A_591 = arith.constant 0 : i32
    %dma_wait3A_592 = tpu.memref_slice %arg6[%dma_wait3A_586, %dma_wait3A_591] : memref<32x512xi32, #tpu.memory_space<vmem>> -> memref<1x512xi32, #tpu.memory_space<vmem>>
    %dma_wait3A_593 = tpu.memref_squeeze %dma_wait3A_592 : memref<1x512xi32, #tpu.memory_space<vmem>> -> memref<512xi32, #tpu.memory_space<vmem>>
    %dma_wait3A_594 = arith.constant 0 : i32
    %dma_wait3A_595 = tpu.memref_slice %arg3[%dma_wait3A_594] : memref<3200032xf32, #tpu.memory_space<hbm>> -> memref<3200032xf32, #tpu.memory_space<hbm>>
    tpu.wait_indirect_dma semaphore(%arg8 : memref<!tpu.dma_semaphore, #tpu.memory_space<semaphore_mem>>) src(%dma_wait3A_595 : memref<3200032xf32, #tpu.memory_space<hbm>>) dst(%dma_wait3A_590 : memref<512xf32, #tpu.memory_space<vmem>>)
    %dma_wait3A_596 = arith.constant 27 : i32
    %dma_wait3A_597 = arith.constant 27 : i32
    %dma_wait3A_598 = arith.constant 0 : i32
    %dma_wait3A_599 = tpu.memref_slice %arg7[%dma_wait3A_597, %dma_wait3A_598] : memref<32x512xf32, #tpu.memory_space<vmem>> -> memref<1x512xf32, #tpu.memory_space<vmem>>
    %dma_wait3A_600 = tpu.memref_squeeze %dma_wait3A_599 : memref<1x512xf32, #tpu.memory_space<vmem>> -> memref<512xf32, #tpu.memory_space<vmem>>
    %dma_wait3A_601 = arith.constant 0 : i32
    %dma_wait3A_602 = tpu.memref_slice %arg6[%dma_wait3A_596, %dma_wait3A_601] : memref<32x512xi32, #tpu.memory_space<vmem>> -> memref<1x512xi32, #tpu.memory_space<vmem>>
    %dma_wait3A_603 = tpu.memref_squeeze %dma_wait3A_602 : memref<1x512xi32, #tpu.memory_space<vmem>> -> memref<512xi32, #tpu.memory_space<vmem>>
    %dma_wait3A_604 = arith.constant 0 : i32
    %dma_wait3A_605 = tpu.memref_slice %arg3[%dma_wait3A_604] : memref<3200032xf32, #tpu.memory_space<hbm>> -> memref<3200032xf32, #tpu.memory_space<hbm>>
    tpu.wait_indirect_dma semaphore(%arg8 : memref<!tpu.dma_semaphore, #tpu.memory_space<semaphore_mem>>) src(%dma_wait3A_605 : memref<3200032xf32, #tpu.memory_space<hbm>>) dst(%dma_wait3A_600 : memref<512xf32, #tpu.memory_space<vmem>>)
    %dma_wait3A_606 = arith.constant 28 : i32
    %dma_wait3A_607 = arith.constant 28 : i32
    %dma_wait3A_608 = arith.constant 0 : i32
    %dma_wait3A_609 = tpu.memref_slice %arg7[%dma_wait3A_607, %dma_wait3A_608] : memref<32x512xf32, #tpu.memory_space<vmem>> -> memref<1x512xf32, #tpu.memory_space<vmem>>
    %dma_wait3A_610 = tpu.memref_squeeze %dma_wait3A_609 : memref<1x512xf32, #tpu.memory_space<vmem>> -> memref<512xf32, #tpu.memory_space<vmem>>
    %dma_wait3A_611 = arith.constant 0 : i32
    %dma_wait3A_612 = tpu.memref_slice %arg6[%dma_wait3A_606, %dma_wait3A_611] : memref<32x512xi32, #tpu.memory_space<vmem>> -> memref<1x512xi32, #tpu.memory_space<vmem>>
    %dma_wait3A_613 = tpu.memref_squeeze %dma_wait3A_612 : memref<1x512xi32, #tpu.memory_space<vmem>> -> memref<512xi32, #tpu.memory_space<vmem>>
    %dma_wait3A_614 = arith.constant 0 : i32
    %dma_wait3A_615 = tpu.memref_slice %arg3[%dma_wait3A_614] : memref<3200032xf32, #tpu.memory_space<hbm>> -> memref<3200032xf32, #tpu.memory_space<hbm>>
    tpu.wait_indirect_dma semaphore(%arg8 : memref<!tpu.dma_semaphore, #tpu.memory_space<semaphore_mem>>) src(%dma_wait3A_615 : memref<3200032xf32, #tpu.memory_space<hbm>>) dst(%dma_wait3A_610 : memref<512xf32, #tpu.memory_space<vmem>>)
    %dma_wait3A_616 = arith.constant 29 : i32
    %dma_wait3A_617 = arith.constant 29 : i32
    %dma_wait3A_618 = arith.constant 0 : i32
    %dma_wait3A_619 = tpu.memref_slice %arg7[%dma_wait3A_617, %dma_wait3A_618] : memref<32x512xf32, #tpu.memory_space<vmem>> -> memref<1x512xf32, #tpu.memory_space<vmem>>
    %dma_wait3A_620 = tpu.memref_squeeze %dma_wait3A_619 : memref<1x512xf32, #tpu.memory_space<vmem>> -> memref<512xf32, #tpu.memory_space<vmem>>
    %dma_wait3A_621 = arith.constant 0 : i32
    %dma_wait3A_622 = tpu.memref_slice %arg6[%dma_wait3A_616, %dma_wait3A_621] : memref<32x512xi32, #tpu.memory_space<vmem>> -> memref<1x512xi32, #tpu.memory_space<vmem>>
    %dma_wait3A_623 = tpu.memref_squeeze %dma_wait3A_622 : memref<1x512xi32, #tpu.memory_space<vmem>> -> memref<512xi32, #tpu.memory_space<vmem>>
    %dma_wait3A_624 = arith.constant 0 : i32
    %dma_wait3A_625 = tpu.memref_slice %arg3[%dma_wait3A_624] : memref<3200032xf32, #tpu.memory_space<hbm>> -> memref<3200032xf32, #tpu.memory_space<hbm>>
    tpu.wait_indirect_dma semaphore(%arg8 : memref<!tpu.dma_semaphore, #tpu.memory_space<semaphore_mem>>) src(%dma_wait3A_625 : memref<3200032xf32, #tpu.memory_space<hbm>>) dst(%dma_wait3A_620 : memref<512xf32, #tpu.memory_space<vmem>>)
    %dma_wait3A_626 = arith.constant 30 : i32
    %dma_wait3A_627 = arith.constant 30 : i32
    %dma_wait3A_628 = arith.constant 0 : i32
    %dma_wait3A_629 = tpu.memref_slice %arg7[%dma_wait3A_627, %dma_wait3A_628] : memref<32x512xf32, #tpu.memory_space<vmem>> -> memref<1x512xf32, #tpu.memory_space<vmem>>
    %dma_wait3A_630 = tpu.memref_squeeze %dma_wait3A_629 : memref<1x512xf32, #tpu.memory_space<vmem>> -> memref<512xf32, #tpu.memory_space<vmem>>
    %dma_wait3A_631 = arith.constant 0 : i32
    %dma_wait3A_632 = tpu.memref_slice %arg6[%dma_wait3A_626, %dma_wait3A_631] : memref<32x512xi32, #tpu.memory_space<vmem>> -> memref<1x512xi32, #tpu.memory_space<vmem>>
    %dma_wait3A_633 = tpu.memref_squeeze %dma_wait3A_632 : memref<1x512xi32, #tpu.memory_space<vmem>> -> memref<512xi32, #tpu.memory_space<vmem>>
    %dma_wait3A_634 = arith.constant 0 : i32
    %dma_wait3A_635 = tpu.memref_slice %arg3[%dma_wait3A_634] : memref<3200032xf32, #tpu.memory_space<hbm>> -> memref<3200032xf32, #tpu.memory_space<hbm>>
    tpu.wait_indirect_dma semaphore(%arg8 : memref<!tpu.dma_semaphore, #tpu.memory_space<semaphore_mem>>) src(%dma_wait3A_635 : memref<3200032xf32, #tpu.memory_space<hbm>>) dst(%dma_wait3A_630 : memref<512xf32, #tpu.memory_space<vmem>>)
    %dma_wait3A_636 = arith.constant 31 : i32
    %dma_wait3A_637 = arith.constant 31 : i32
    %dma_wait3A_638 = arith.constant 0 : i32
    %dma_wait3A_639 = tpu.memref_slice %arg7[%dma_wait3A_637, %dma_wait3A_638] : memref<32x512xf32, #tpu.memory_space<vmem>> -> memref<1x512xf32, #tpu.memory_space<vmem>>
    %dma_wait3A_640 = tpu.memref_squeeze %dma_wait3A_639 : memref<1x512xf32, #tpu.memory_space<vmem>> -> memref<512xf32, #tpu.memory_space<vmem>>
    %dma_wait3A_641 = arith.constant 0 : i32
    %dma_wait3A_642 = tpu.memref_slice %arg6[%dma_wait3A_636, %dma_wait3A_641] : memref<32x512xi32, #tpu.memory_space<vmem>> -> memref<1x512xi32, #tpu.memory_space<vmem>>
    %dma_wait3A_643 = tpu.memref_squeeze %dma_wait3A_642 : memref<1x512xi32, #tpu.memory_space<vmem>> -> memref<512xi32, #tpu.memory_space<vmem>>
    %dma_wait3A_644 = arith.constant 0 : i32
    %dma_wait3A_645 = tpu.memref_slice %arg3[%dma_wait3A_644] : memref<3200032xf32, #tpu.memory_space<hbm>> -> memref<3200032xf32, #tpu.memory_space<hbm>>
    tpu.wait_indirect_dma semaphore(%arg8 : memref<!tpu.dma_semaphore, #tpu.memory_space<semaphore_mem>>) src(%dma_wait3A_645 : memref<3200032xf32, #tpu.memory_space<hbm>>) dst(%dma_wait3A_640 : memref<512xf32, #tpu.memory_space<vmem>>)
    "tpu.region"() ({
      %run_scoped3A = tpu.sem_alloc : memref<!tpu.dma_semaphore, #tpu.memory_space<semaphore_mem>>
      %dma_start3A_646 = arith.constant 0 : i32
      %dma_start3A_647 = tpu.memref_slice %arg4[%dma_start3A_646, %mul3A_2] : memref<32x16384xf32, #tpu.memory_space<hbm>> -> memref<32x512xf32, #tpu.memory_space<hbm>>
      %dma_start3A_648 = arith.constant 0 : i32
      %dma_start3A_649 = tpu.memref_slice %arg4[%dma_start3A_648, %mul3A_2] : memref<32x16384xf32, #tpu.memory_space<hbm>> -> memref<32x512xf32, #tpu.memory_space<hbm>>
      tpu.enqueue_dma source(%arg7 : memref<32x512xf32, #tpu.memory_space<vmem>>) target(%dma_start3A_649 : memref<32x512xf32, #tpu.memory_space<hbm>>) target_semaphore(%run_scoped3A : memref<!tpu.dma_semaphore, #tpu.memory_space<semaphore_mem>>)
      %dma_wait3A_650 = arith.constant 0 : i32
      %dma_wait3A_651 = tpu.memref_slice %arg4[%dma_wait3A_650, %mul3A_2] : memref<32x16384xf32, #tpu.memory_space<hbm>> -> memref<32x512xf32, #tpu.memory_space<hbm>>
      %dma_wait3A_652 = arith.constant 0 : i32
      %dma_wait3A_653 = tpu.memref_slice %arg4[%dma_wait3A_652, %mul3A_2] : memref<32x16384xf32, #tpu.memory_space<hbm>> -> memref<32x512xf32, #tpu.memory_space<hbm>>
      tpu.wait_dma2 semaphore(%run_scoped3A : memref<!tpu.dma_semaphore, #tpu.memory_space<semaphore_mem>>) src(%arg7 : memref<32x512xf32, #tpu.memory_space<vmem>>) dst(%dma_wait3A_653 : memref<32x512xf32, #tpu.memory_space<hbm>>)
      tpu.yield
    }) : () -> ()
    return
  }
}

</mosaic_0001>

<sc_bundles>
// kernel: kernel.3.cloned.1.call-start
scs
__scs_entry_jumppad:
0x0: {  	(pc) =	sbr.rel $0x88, $3  }
0x1: {  	(tag) =	ssettag $0x0;
	lr =	simm.s32 $0x1  }
0x2: {  	[smem:$0x3F9F] =	sst lr;
	_ =	strace $0xD0000000  }
0x3: {  	_ = 	snop  }
0x4: {  	_ = 	snop  }
0x5: {  	_ = 	snop  }
0x6: {  	_ = 	snop  }
0x7: {  	_ = 	snop  }
__scs_overlays_trampoline_lowered:
0x8: {  	[smem:$0x3FAE] =	sst s0  }
0x9: {  	[smem:$0x3FAF] =	sst s1  }
0xa: {  	[smem:$0x3FB0] =	sst s2  }
0xb: {  	[smem:$0x3FB1] =	sst s3  }
0xc: {  	[smem:$0x3FB2] =	sst s4  }
0xd: {  	[smem:$0x3FB3] =	sst s5  }
0xe: {  	[smem:$0x3FB4] =	sst s6  }
0xf: {  	[smem:$0x3FB5] =	sst s7  }
0x10: {  	[smem:$0x3FB6] =	sst s8  }
0x11: {  	[smem:$0x3FB7] =	sst s9;
	s0 =	simm.s32 @!p0 $0x0  }
0x12: {  	s1 =	sld [smem:$0x3F9D];
	s0 =	simm.s32 @p0 $0x1  }
0x13: {  	[smem:$0x3FB8] =	sst s0;
	s0 =	simm.s32 @!p1 $0x0  }
0x14: {  	s2 =	sld [smem:$0x3F9C];
	s0 =	simm.s32 @p1 $0x1  }
0x15: {  	[smem:$0x3FB9] =	sst s0;
	s0 =	simm.s32 @!p2 $0x0  }
0x16: {  	s3 =	sld [smem:$0x3FDB];
	s0 =	simm.s32 @p2 $0x1  }
0x17: {  	s4 =	simm.s32 $0x1BF5;
	[smem:$0x3FBB] =	sst s0  }
0x18: {  	s0 =	sld [smem:$0x3F9E];
	_ =	swait.ge [sflag:s4], $0x0  }
0x19: {  	s7 =	sld [smem:$0x3F9F]  }
0x1a: {  	s8 =	sadd.s32 $0xFFFFE003, lr  }
0x1b: {  	s9 =	sadd.s32 $0xFFFFFEF7, lr;
	s5 =	simm.s32 $0xFFFFFFFF;
	p2 =	slt.u32 s8, $0xFFFFF086  }
0x1c: {  	p1 =	slt.u32 s9, $0xF7A;
	s5 =	simm.s32 @!p2 $0x0  }
0x1d: {  	s5 =	simm.s32 @p1 $0x1;
	p0 =	seq.s32 s7, s2  }
0x1e: {  	s7 =	smul.u32 @!p0 $0xF7A, s2;
	p2 =	seq.s32 @!p0 s5, $0x0  }
0x1f: {  	s9 =	smul.u32 $0xF7A, s1;
	s8 =	simm.s32 @!p0 $0x1BF5;
	p2 =	por !p2, p0  }
0x20: {  	[sflag:s8] =	ssyncset.s32 @!p0 $0xFFFFF086;
	s6 =	sadd.s32 @!p0 s3, s7;
	s7 =	simm.s32 @!p0 $0x108  }
0x21: {  	s3 =	sadd.s32 s3, s9;
	s6 =	sadd.s32 @!p0 $0x88, s6;
	s7 =	simm.s32 @p2 $0x1082  }
0x22: {  	[simem:s7], [sflag:s8] =	dma.local @!p0 [hbm:s6], $0xF7A  }
0x23: {  	s9 =	sor.u32 $0xD0000000, s2;
	s6 =	simm.s32 $0x108;
	_ =	swait.ge @!p0 [sflag:s8], $0x0  }
0x24: {  	s3 =	sadd.s32 $0x88, s3;
	s6 =	simm.s32 @!p1 $0x1082;
	[sflag:s4] =	ssyncset.s32 $0xFFFFF086  }
0x25: {  	[simem:s6], [sflag:s4] =	dma.local [hbm:s3], $0xF7A  }
0x26: {  	[smem:$0x3F9F] =	sst s1;
	(tag) =	ssettag s2;
	_ =	strace s9  }
0x27: {  	s1 =	sld [smem:$0x3FAF]  }
0x28: {  	s2 =	sld [smem:$0x3FB0]  }
0x29: {  	s4 =	sld [smem:$0x3FB2]  }
0x2a: {  	p0 =	seq.s32 s5, $0x0;
	s5 =	sld [smem:$0x3FB3]  }
0x2b: {  	s6 =	sld [smem:$0x3FB4]  }
0x2c: {  	s7 =	sld [smem:$0x3FB5]  }
0x2d: {  	s3 =	simm.s32 $0x108;
	s8 =	sld [smem:$0x3FB6]  }
0x2e: {  	s3 =	simm.s32 @!p0 $0x1082;
	s9 =	sld [smem:$0x3FB7]  }
0x2f: {  	lr =	sadd.s32 s0, s3;
	s0 =	sld [smem:$0x3FAE]  }
0x30: {  	s3 =	sld [smem:$0x3FB1]  }
0x31: {  	[smem:$0x3FBA] =	sst s10  }
0x32: {  	s10 =	sld [smem:$0x3FB8];
	_ =	sdelay $0x3  }
0x33: {  	p0 =	seq.s32 s10, $0x1;
	s10 =	sld [smem:$0x3FBA];
	_ =	sdelay $0x3  }
0x34: {  	[smem:$0x3FBA] =	sst s10  }
0x35: {  	s10 =	sld [smem:$0x3FB9];
	_ =	sdelay $0x3  }
0x36: {  	p1 =	seq.s32 s10, $0x1;
	s10 =	sld [smem:$0x3FBA];
	_ =	sdelay $0x3  }
0x37: {  	[smem:$0x3FBA] =	sst s10  }
0x38: {  	s10 =	sld [smem:$0x3FBB]  }
0x39: {  	_ = 	snop;
	(pc) =	sbr.ind lr, $3  }
0x3a: {  	_ = 	snop  }
0x3b: {  	_ = 	snop  }
0x3c: {  	p2 =	seq.s32 s10, $0x1;
	s10 =	sld [smem:$0x3FBA]  }
0x3d: {  	_ =	shalt  }
0x3e: {  	_ =	shalt  }
0x3f: {  	_ =	shalt  }
0x40: {  	_ =	shalt  }
0x41: {  	_ =	shalt  }
0x42: {  	_ =	shalt  }
0x43: {  	_ =	shalt  }
0x44: {  	_ =	shalt  }
0x45: {  	_ =	shalt  }
0x46: {  	_ =	shalt  }
0x47: {  	_ =	shalt  }
0x48: {  	_ =	shalt  }
0x49: {  	_ =	shalt  }
0x4a: {  	_ =	shalt  }
0x4b: {  	_ =	shalt  }
0x4c: {  	_ =	shalt  }
0x4d: {  	_ =	shalt  }
0x4e: {  	_ =	shalt  }
0x4f: {  	_ =	shalt  }
0x50: {  	_ =	shalt  }
0x51: {  	_ =	shalt  }
0x52: {  	_ =	shalt  }
0x53: {  	_ =	shalt  }
0x54: {  	_ =	shalt  }
0x55: {  	_ =	shalt  }
0x56: {  	_ =	shalt  }
0x57: {  	_ =	shalt  }
0x58: {  	_ =	shalt  }
0x59: {  	_ =	shalt  }
0x5a: {  	_ =	shalt  }
0x5b: {  	_ =	shalt  }
0x5c: {  	_ =	shalt  }
0x5d: {  	_ =	shalt  }
0x5e: {  	_ =	shalt  }
0x5f: {  	_ =	shalt  }
0x60: {  	_ =	shalt  }
0x61: {  	_ =	shalt  }
0x62: {  	_ =	shalt  }
0x63: {  	_ =	shalt  }
0x64: {  	_ =	shalt  }
0x65: {  	_ =	shalt  }
0x66: {  	_ =	shalt  }
0x67: {  	_ =	shalt  }
0x68: {  	_ =	shalt  }
0x69: {  	_ =	shalt  }
0x6a: {  	_ =	shalt  }
0x6b: {  	_ =	shalt  }
0x6c: {  	_ =	shalt  }
0x6d: {  	_ =	shalt  }
0x6e: {  	_ =	shalt  }
0x6f: {  	_ =	shalt  }
0x70: {  	_ =	shalt  }
0x71: {  	_ =	shalt  }
0x72: {  	_ =	shalt  }
0x73: {  	_ =	shalt  }
0x74: {  	_ =	shalt  }
0x75: {  	_ =	shalt  }
0x76: {  	_ =	shalt  }
0x77: {  	_ =	shalt  }
0x78: {  	_ =	shalt  }
0x79: {  	_ =	shalt  }
0x7a: {  	_ =	shalt  }
0x7b: {  	_ =	shalt  }
0x7c: {  	_ =	shalt  }
0x7d: {  	_ =	shalt  }
0x7e: {  	_ =	shalt  }
0x7f: {  	_ =	shalt  }
0x80: {  	_ =	shalt  }
0x81: {  	_ =	shalt  }
0x82: {  	_ =	shalt  }
0x83: {  	_ =	shalt  }
0x84: {  	_ =	shalt  }
0x85: {  	_ =	shalt  }
0x86: {  	_ =	shalt  }
0x87: {  	_ =	shalt  }
.Lfunc_end0:
.L_simem_size_0:
called_computation_lowered:
.L_overlay_start_0:
0x88: {  	s2 =	sld [smem:$0x3FD9]  }
0x89: {  	s3 =	sld [smem:$0x3FFE];
	_ =	sdelay $0x1  }
0x8a: {  	s1 =	srdreg.scid  }
0x8b: {  	s0 =	sand.u32 $0x1, s1  }
0x8c: {  	s17 =	sshll.u32 s0, $0xA;
	s2 =	sadd.s32 s3, s2  }
0x8d: {  	s2 =	sadd.s32 s2, s17  }
0x8e: {  	[smem:$0x3FC6] =	sst s2  }
0x8f: {  	_ = 	snop  }
0x90: {  	s2 =	sld [smem:$0x3FC9];
	(tm) =	ssettm $0x1  }
0x91: {  	s18 =	sld [smem:$0x3FFB];
	_ =	sdelay $0x3  }
0x92: {  	_ =	strace s18  }
0x93: {  	s3 =	sld [smem:$0x3FFC];
	_ =	sdelay $0x3  }
0x94: {  	_ =	strace s3  }
0x95: {  	s3 =	sld [smem:$0x3FFD];
	_ =	sdelay $0x3  }
0x96: {  	_ =	strace s3  }
0x97: {  	_ =	strace $0x8FFFFFFF  }
0x98: {  	s19 =	sld [smem:$0x3FDB];
	_ =	sdelay $0x1  }
0x99: {  	s4 =	simm.s32 $_scs_section_size  }
0x9a: {  	s5 =	simm.s32 $_size__tile_overlayer_lowered;
	s6 =	simm.s32 $_tile_overlayer_lowered  }
0x9b: {  	s22 =	simm.s32 $0x1BFF;
	s21 =	sshll.u32 s6, $0x1;
	s3 =	sadd.s32 s4, s19  }
0x9c: {  	s7 =	simm.s32 $0x0;
	s20 =	sshll.u32 s5, $0x1;
	s5 =	sadd.s32 s21, s3  }
0x9d: {  	[timem:s7], [sflag:s22] =	dma.local [hbm:s5], s20  }
0x9e: {  	_ =	swait.ge [sflag:s22], s20  }
0x9f: {  	s4 =	ssub.s32 $0x0, s20;
	[sflag:s22] =	ssyncset.done $0x0  }
0xa0: {  	[sflag:s22] =	ssyncadd.s32 s4;
	_ =	sdelay $0x1  }
0xa1: {  	s23 =	simm.s32 $0x1B8B  }
0xa2: {  	_ =	swait.ge [sflag:s23], $0x1  }
0xa3: {  	[sflag:s23] =	ssyncset.done $0x0  }
0xa4: {  	s25 =	simm.s32 $0x1B8E;
	s24 =	sld [smem:$0x3FFE];
	[sflag:s23] =	ssyncadd.s32 $0xFFFFFFFF  }
0xa5: {  	s26 =	simm.s32 $execute0_lowered;
	[smem:$0x3FD2] =	sst s25  }
0xa6: {  	s5 =	sshll.u32 s26, $0x1;
	_ =	strace $0x80000046;
	[dreg:$0x1] =	wrdreg $0xFFFFFFFF  }
0xa7: {  	s28 =	simm.s32 $_size_execute0_lowered;
	s3 =	sadd.s32 s3, s5;
	[dreg:$0x0] =	wrdreg $0x0  }
0xa8: {  	s5 =	sshll.u32 s28, $0x1;
	[dreg:$0x2] =	wrdreg s3  }
0xa9: {  	[dreg:$0x3] =	wrdreg s5  }
0xaa: {  	[dreg:$0x4] =	wrdreg $0xC0  }
0xab: {  	_ =	task [dreg:s7], $0x5FFFF  }
0xac: {  	[dreg:$0x1] =	wrdreg $0xFFFFFFFF  }
0xad: {  	[dreg:$0x0] =	wrdreg $0x60  }
0xae: {  	[dreg:$0x2] =	wrdreg s2  }
0xaf: {  	[dreg:$0x3] =	wrdreg s24  }
0xb0: {  	[dreg:$0x4] =	wrdreg $0x9  }
0xb1: {  	_ =	task.clear_ibuf [dreg:s7], $0x5FFFF;
	_ =	strace $0x90000046  }
0xb2: {  	s29 =	simm.s32 $0x9;
	_ =	strace $0x80000048  }
0xb3: {  	_ =	swait.ge [sflag:s29], $0x1  }
0xb4: {  	[sflag:s29] =	ssyncadd.s32 $0xFFFFFFFF  }
0xb5: {  	_ =	strace $0x90000048  }
0xb6: {  	_ =	sfence  }
0xb7: {  	s30 =	sld [smem:$0x0];
	_ =	sdelay $0x2  }
0xb8: {  	s31 =	sshll.u32 s1, $0xD;
	s1 =	sshrl.u32 s1, $0x2  }
0xb9: {  	s3 =	sand.u32 $0x4000, s31;
	s1 =	sadd.s32 s1, s30  }
0xba: {  	s0 =	sor.u32 s3, s0;
	s1 =	sshll.u32 s1, $0x11  }
0xbb: {  	s0 =	sor.u32 s1, s0  }
0xbc: {  	s0 =	sadd.s32 $0x8F2B, s0  }
0xbd: {  	[sflag:s0] =	ssyncadd.remote.s32 $0x1  }
0xbe: {  	_ =	sfence.sel $0xFFFF  }
0xbf: {  	[dreg:$0x0] =	wrdreg $0xFFFFFFFF;
	(pc) =	sbr.abs _section_cstart, $3  }
0xc0: {  	[dreg:$0x1] =	wrdreg $0xFFFFFFFF  }
0xc1: {  	_ =	task.clear_ibuf [dreg:s7], $0x2FFFF;
	_ =	strace $0x9FFFFFFF  }
0xc2: {  	(tm) =	ssettm $0x7FFFFFFF  }
0xc3: {  	_ =	shalt  }
tec
execute0_lowered:
.L_overlay_start_1:
0x0: {  	(tag) =	ssettag $0x1  }
0x1: {  	s0 =	rddreg [dreg:$0x0]  }
0x2: {  	s1 =	rddreg [dreg:$0x1];
	s2 =	simm.s32 $0x0;
	s29 =	srdreg.scid  }
0x3: {  	s3 =	stileid.u32;
	s7 =	simm.s32 $0x2;
	s8 =	simm.s32 $0x200  }
0x4: {  	s9 =	simm.s32 $0x4200;
	s18 =	simm.s32 $0x1;
	s31 =	simm.s32 $0x6E00  }
0x5: {  	s10 =	simm.s32 $0x7200;
	s11 =	simm.s32 $0x3400;
	s12 =	simm.s32 $0x7400  }
0x6: {  	s13 =	simm.s32 $0x3600;
	s14 =	simm.s32 $0x7600;
	s15 =	simm.s32 $0x3800  }
0x7: {  	s16 =	simm.s32 $0x7800;
	s17 =	simm.s32 $0x3A00;
	s19 =	simm.s32 $0x7A00  }
0x8: {  	s20 =	simm.s32 $0x3C00;
	s21 =	simm.s32 $0x7C00;
	s22 =	simm.s32 $0x3E00  }
0x9: {  	s23 =	simm.s32 $0x7E00;
	s24 =	simm.s32 $0x4000;
	s25 =	simm.s32 $0x8000  }
0xa: {  	s26 =	simm.s32 $0x0;
	[smem:$0x7FF] =	sst s2;
	s2 =	sand.u32 $0x1, s29  }
0xb: {  	s4 =	sshll.u32 s3, $0x7;
	s5 =	sshll.u32 s2, $0x6;
	s2 =	ssub.s32 $0x2, s2  }
0xc: {  	s3 =	sadd.s32 $0x400, s1;
	s4 =	sor.u32 s5, s4;
	s30 =	sshrl.u32 s2, $0x1  }
0xd: {  	_ =	strace $0x80000047;
	s1 =	sadd.s32 s4, s1;
	s2 =	ssub.s32 s2, s30  }
0xe: {  	s4 =	sadd.s32 s0, s4;
	s0 =	simm.s32 $0x3000;
	s5 =	sadd.s32 $0x62000, s1  }
0xf: {  	s6 =	smax.u32 s2, $0x1;
	s1 =	simm.s32 $0x7000;
	s2 =	simm.s32 $0x3200  }
.LBB2_1:
0x10: {  	s28 =	simm.s32 $0x0  }
0x11: {  	[tilespmem:s28], [sflag:$0x2] =	stream.linear.gather [hbm4b:s4+s28], $0x200, $0x38;
	[tilespmem:$0x8200] =	vst v63  }
0x12: {  	_ =	swait.ge [sflag:s7], $0x200  }
0x13: {  	[sflag:s7] =	ssyncset.done $0x0  }
0x14: {  	s28 =	simm.s32 $0x0;
	[sflag:s7] =	ssyncadd.s32 $0xFFFFFE00  }
0x15: {  	v5 =	vld [tilespmem:s28+$0x0];
	_ =	sdelay $0x4  }
0x16: {  	[tilespmem:s28+$0x200] =	vst v5;
	v0 =	vadd.s32 $0x2F4D7F, v5  }
0x17: {  	v1 =	vadd.s32 $0x2DC6DE, v5;
	[tilespmem:s28+$0x4000] =	vst v0  }
0x18: {  	v2 =	vadd.s32 $0x927C6, v5;
	[tilespmem:s28+$0x3E00] =	vst v1  }
0x19: {  	v3 =	vadd.s32 $0xAAE67, v5;
	[tilespmem:s28+$0xE00] =	vst v2  }
0x1a: {  	v6 =	vadd.s32 $0xC3508, v5;
	[tilespmem:s28+$0x1000] =	vst v3  }
0x1b: {  	v0 =	vadd.s32 $0x2C403D, v5;
	[tilespmem:s28+$0x1200] =	vst v6  }
0x1c: {  	v1 =	vadd.s32 $0x2AB99C, v5;
	[tilespmem:s28+$0x3C00] =	vst v0  }
0x1d: {  	v0 =	vadd.s32 $0x27AC5A, v5;
	[tilespmem:s28+$0x3A00] =	vst v1  }
0x1e: {  	v1 =	vadd.s32 $0x2625B9, v5;
	[tilespmem:s28+$0x3600] =	vst v0  }
0x1f: {  	v0 =	vadd.s32 $0x249F18, v5;
	[tilespmem:s28+$0x3400] =	vst v1  }
0x20: {  	v1 =	vadd.s32 $0x231877, v5;
	[tilespmem:s28+$0x3200] =	vst v0  }
0x21: {  	v0 =	vadd.s32 $0x2191D6, v5;
	[tilespmem:s28+$0x3000] =	vst v1  }
0x22: {  	v1 =	vadd.s32 $0x200B35, v5;
	[tilespmem:s28+$0x2E00] =	vst v0  }
0x23: {  	v0 =	vadd.s32 $0x1E8494, v5;
	[tilespmem:s28+$0x2C00] =	vst v1  }
0x24: {  	v1 =	vadd.s32 $0x1CFDF3, v5;
	[tilespmem:s28+$0x2A00] =	vst v0  }
0x25: {  	v0 =	vadd.s32 $0x1B7752, v5;
	[tilespmem:s28+$0x2800] =	vst v1  }
0x26: {  	v1 =	vadd.s32 $0x19F0B1, v5;
	[tilespmem:s28+$0x2600] =	vst v0  }
0x27: {  	v0 =	vadd.s32 $0x186A10, v5;
	[tilespmem:s28+$0x2400] =	vst v1  }
0x28: {  	v1 =	vadd.s32 $0x16E36F, v5;
	[tilespmem:s28+$0x2200] =	vst v0  }
0x29: {  	v0 =	vadd.s32 $0x155CCE, v5;
	[tilespmem:s28+$0x2000] =	vst v1  }
0x2a: {  	v1 =	vadd.s32 $0x186A1, v5;
	[tilespmem:s28+$0x1E00] =	vst v0  }
0x2b: {  	v0 =	vadd.s32 $0x30D42, v5;
	[tilespmem:s28+$0x400] =	vst v1  }
0x2c: {  	v1 =	vadd.s32 $0x493E3, v5;
	[tilespmem:s28+$0x600] =	vst v0  }
0x2d: {  	v4 =	vadd.s32 $0x124F8C, v5;
	v0 =	vadd.s32 $0x61A84, v5;
	[tilespmem:s28+$0x800] =	vst v1  }
0x2e: {  	v2 =	vadd.s32 $0x10C8EB, v5;
	v3 =	vadd.s32 $0xF424A, v5;
	v1 =	vadd.s32 $0x7A125, v5;
	[tilespmem:s28+$0xA00] =	vst v0  }
0x2f: {  	s29 =	simm.s32 $0x40;
	[tilespmem:s28+$0xC00] =	vst v1;
	v0 =	vadd.s32 $0x2932FB, v5;
	v1 =	vadd.s32 $0xDBBA9, v5;
	v5 =	vadd.s32 $0x13D62D, v5  }
.LBB2_2:
0x30: {  	s30 =	sshra.s32 s29, $0x2;
	p0 =	sne.s32 s29, $0x7C0;
	s29 =	sadd.s32 $0x40, s29;
	[tilespmem:s28+$0x1400] =	vst v1  }
0x31: {  	v6 =	vld [tilespmem:s30+$0x0];
	[tilespmem:s28+$0x1600] =	vst v3  }
0x32: {  	[tilespmem:s28+$0x1800] =	vst v2  }
0x33: {  	[tilespmem:s28+$0x1A00] =	vst v4  }
0x34: {  	[tilespmem:s28+$0x1C00] =	vst v5  }
0x35: {  	[tilespmem:s28+$0x3800] =	vst v0;
	s28 =	smov.u32 s30  }
0x36: {  	[tilespmem:s28+$0x200] =	vst v6;
	v7 =	vadd.s32 $0x186A1, v6;
	v0 =	vadd.s32 $0x2932FB, v6;
	v1 =	vadd.s32 $0x2F4D7F, v6  }
0x37: {  	v8 =	vadd.s32 $0x30D42, v6;
	v9 =	vadd.s32 $0x155CCE, v6;
	v2 =	vadd.s32 $0x2DC6DE, v6;
	[tilespmem:s28+$0x4000] =	vst v1  }
0x38: {  	v10 =	vadd.s32 $0x493E3, v6;
	v11 =	vadd.s32 $0x16E36F, v6;
	v1 =	vadd.s32 $0x2C403D, v6;
	[tilespmem:s28+$0x3E00] =	vst v2  }
0x39: {  	v12 =	vadd.s32 $0x61A84, v6;
	v13 =	vadd.s32 $0x186A10, v6;
	v2 =	vadd.s32 $0x2AB99C, v6;
	[tilespmem:s28+$0x3C00] =	vst v1  }
0x3a: {  	v14 =	vadd.s32 $0x7A125, v6;
	v15 =	vadd.s32 $0x19F0B1, v6;
	v1 =	vadd.s32 $0x27AC5A, v6;
	[tilespmem:s28+$0x3A00] =	vst v2  }
0x3b: {  	v16 =	vadd.s32 $0x927C6, v6;
	v17 =	vadd.s32 $0x1B7752, v6;
	v2 =	vadd.s32 $0x2625B9, v6;
	[tilespmem:s28+$0x3600] =	vst v1  }
0x3c: {  	v18 =	vadd.s32 $0xAAE67, v6;
	v19 =	vadd.s32 $0x1CFDF3, v6;
	v1 =	vadd.s32 $0x249F18, v6;
	[tilespmem:s28+$0x3400] =	vst v2  }
0x3d: {  	v20 =	vadd.s32 $0xC3508, v6;
	v5 =	vadd.s32 $0x1E8494, v6;
	v2 =	vadd.s32 $0x231877, v6;
	[tilespmem:s28+$0x3200] =	vst v1  }
0x3e: {  	v4 =	vadd.s32 $0x200B35, v6;
	v21 =	vadd.s32 $0x2191D6, v6;
	v1 =	vadd.s32 $0xDBBA9, v6;
	[tilespmem:s28+$0x3000] =	vst v2  }
0x3f: {  	v3 =	vadd.s32 $0xF424A, v6;
	[tilespmem:s28+$0x2E00] =	vst v21  }
0x40: {  	v2 =	vadd.s32 $0x10C8EB, v6;
	[tilespmem:s28+$0x2C00] =	vst v4  }
0x41: {  	v4 =	vadd.s32 $0x124F8C, v6;
	[tilespmem:s28+$0x2A00] =	vst v5  }
0x42: {  	v5 =	vadd.s32 $0x13D62D, v6;
	[tilespmem:s28+$0x2800] =	vst v19  }
0x43: {  	[tilespmem:s28+$0x2600] =	vst v17  }
0x44: {  	[tilespmem:s28+$0x2400] =	vst v15  }
0x45: {  	[tilespmem:s28+$0x2200] =	vst v13  }
0x46: {  	[tilespmem:s28+$0x2000] =	vst v11  }
0x47: {  	[tilespmem:s28+$0x1E00] =	vst v9  }
0x48: {  	[tilespmem:s28+$0x400] =	vst v7  }
0x49: {  	[tilespmem:s28+$0x600] =	vst v8  }
0x4a: {  	[tilespmem:s28+$0x800] =	vst v10  }
.Ltmp0:
0x4b: {  	[tilespmem:s28+$0xA00] =	vst v12;
	(pc) =	sbr.rel @p0 .LBB2_2-.Ltmp0, $4  }
0x4c: {  	[tilespmem:s28+$0xC00] =	vst v14  }
0x4d: {  	[tilespmem:s28+$0xE00] =	vst v16  }
0x4e: {  	[tilespmem:s28+$0x1000] =	vst v18  }
0x4f: {  	[tilespmem:s28+$0x1200] =	vst v20  }
0x50: {  	[tilespmem:s28+$0x1400] =	vst v1  }
0x51: {  	[tilespmem:s28+$0x1600] =	vst v3  }
0x52: {  	[tilespmem:s28+$0x1800] =	vst v2  }
0x53: {  	[tilespmem:s28+$0x1A00] =	vst v4  }
0x54: {  	[tilespmem:s28+$0x1C00] =	vst v5  }
0x55: {  	[tilespmem:s28+$0x3800] =	vst v0  }
0x56: {  	[tilespmem:s9], [sflag:$0x1] =	stream.indirect.gather [hbm4b:s3+s8], $0x1, s8, s8, $0xb8;
	[tilespmem:$0x8200] =	vst v63  }
0x57: {  	s30 =	simm.s32 $0x400;
	s29 =	simm.s32 $0x4400  }
0x58: {  	[tilespmem:s29], [sflag:$0x1] =	stream.indirect.gather [hbm4b:s3+s8], $0x1, s30, s8, $0xb8;
	[tilespmem:$0x8200] =	vst v63  }
0x59: {  	s28 =	simm.s32 $0x600;
	s30 =	simm.s32 $0x4600  }
0x5a: {  	[tilespmem:s30], [sflag:$0x1] =	stream.indirect.gather [hbm4b:s3+s8], $0x1, s28, s8, $0xb8;
	[tilespmem:$0x8200] =	vst v63  }
0x5b: {  	s28 =	simm.s32 $0x800;
	s30 =	simm.s32 $0x4800  }
0x5c: {  	[tilespmem:s30], [sflag:$0x1] =	stream.indirect.gather [hbm4b:s3+s8], $0x1, s28, s8, $0xb8;
	[tilespmem:$0x8200] =	vst v63  }
0x5d: {  	s28 =	simm.s32 $0xA00;
	s30 =	simm.s32 $0x4A00  }
0x5e: {  	[tilespmem:s30], [sflag:$0x1] =	stream.indirect.gather [hbm4b:s3+s8], $0x1, s28, s8, $0xb8;
	[tilespmem:$0x8200] =	vst v63  }
0x5f: {  	s28 =	simm.s32 $0xC00;
	s30 =	simm.s32 $0x4C00  }
0x60: {  	[tilespmem:s30], [sflag:$0x1] =	stream.indirect.gather [hbm4b:s3+s8], $0x1, s28, s8, $0xb8;
	[tilespmem:$0x8200] =	vst v63  }
0x61: {  	s28 =	simm.s32 $0xE00;
	s30 =	simm.s32 $0x4E00  }
0x62: {  	[tilespmem:s30], [sflag:$0x1] =	stream.indirect.gather [hbm4b:s3+s8], $0x1, s28, s8, $0xb8;
	[tilespmem:$0x8200] =	vst v63  }
0x63: {  	s28 =	simm.s32 $0x1000;
	s30 =	simm.s32 $0x5000  }
0x64: {  	[tilespmem:s30], [sflag:$0x1] =	stream.indirect.gather [hbm4b:s3+s8], $0x1, s28, s8, $0xb8;
	[tilespmem:$0x8200] =	vst v63  }
0x65: {  	s28 =	simm.s32 $0x1200;
	s30 =	simm.s32 $0x5200  }
0x66: {  	[tilespmem:s30], [sflag:$0x1] =	stream.indirect.gather [hbm4b:s3+s8], $0x1, s28, s8, $0xb8;
	[tilespmem:$0x8200] =	vst v63  }
0x67: {  	s28 =	simm.s32 $0x1400;
	s30 =	simm.s32 $0x5400  }
0x68: {  	[tilespmem:s30], [sflag:$0x1] =	stream.indirect.gather [hbm4b:s3+s8], $0x1, s28, s8, $0xb8;
	[tilespmem:$0x8200] =	vst v63  }
0x69: {  	s28 =	simm.s32 $0x1600;
	s30 =	simm.s32 $0x5600  }
0x6a: {  	[tilespmem:s30], [sflag:$0x1] =	stream.indirect.gather [hbm4b:s3+s8], $0x1, s28, s8, $0xb8;
	[tilespmem:$0x8200] =	vst v63  }
0x6b: {  	s28 =	simm.s32 $0x1800;
	s30 =	simm.s32 $0x5800  }
0x6c: {  	[tilespmem:s30], [sflag:$0x1] =	stream.indirect.gather [hbm4b:s3+s8], $0x1, s28, s8, $0xb8;
	[tilespmem:$0x8200] =	vst v63  }
0x6d: {  	s28 =	simm.s32 $0x1A00;
	s30 =	simm.s32 $0x5A00  }
0x6e: {  	[tilespmem:s30], [sflag:$0x1] =	stream.indirect.gather [hbm4b:s3+s8], $0x1, s28, s8, $0xb8;
	[tilespmem:$0x8200] =	vst v63  }
0x6f: {  	s28 =	simm.s32 $0x1C00;
	s30 =	simm.s32 $0x5C00  }
0x70: {  	[tilespmem:s30], [sflag:$0x1] =	stream.indirect.gather [hbm4b:s3+s8], $0x1, s28, s8, $0xb8;
	[tilespmem:$0x8200] =	vst v63  }
0x71: {  	s28 =	simm.s32 $0x1E00;
	s30 =	simm.s32 $0x5E00  }
0x72: {  	[tilespmem:s30], [sflag:$0x1] =	stream.indirect.gather [hbm4b:s3+s8], $0x1, s28, s8, $0xb8;
	[tilespmem:$0x8200] =	vst v63  }
0x73: {  	s28 =	simm.s32 $0x2000;
	s30 =	simm.s32 $0x6000  }
0x74: {  	[tilespmem:s30], [sflag:$0x1] =	stream.indirect.gather [hbm4b:s3+s8], $0x1, s28, s8, $0xb8;
	[tilespmem:$0x8200] =	vst v63  }
0x75: {  	s28 =	simm.s32 $0x2200;
	s30 =	simm.s32 $0x6200  }
0x76: {  	[tilespmem:s30], [sflag:$0x1] =	stream.indirect.gather [hbm4b:s3+s8], $0x1, s28, s8, $0xb8;
	[tilespmem:$0x8200] =	vst v63  }
0x77: {  	_ =	swait.ge [sflag:s18], $0x200  }
0x78: {  	[sflag:s18] =	ssyncset.done $0x0  }
0x79: {  	s28 =	simm.s32 $0x2400;
	s30 =	simm.s32 $0x6400;
	[sflag:s18] =	ssyncadd.s32 $0xFFFFFE00  }
0x7a: {  	[tilespmem:s30], [sflag:$0x1] =	stream.indirect.gather [hbm4b:s3+s8], $0x1, s28, s8, $0xb8;
	[tilespmem:$0x8200] =	vst v63  }
0x7b: {  	_ =	swait.ge [sflag:s18], $0x200  }
0x7c: {  	[sflag:s18] =	ssyncset.done $0x0  }
0x7d: {  	s28 =	simm.s32 $0x2600;
	s30 =	simm.s32 $0x6600;
	[sflag:s18] =	ssyncadd.s32 $0xFFFFFE00  }
0x7e: {  	[tilespmem:s30], [sflag:$0x1] =	stream.indirect.gather [hbm4b:s3+s8], $0x1, s28, s8, $0xb8;
	[tilespmem:$0x8200] =	vst v63  }
0x7f: {  	_ =	swait.ge [sflag:s18], $0x200  }
0x80: {  	[sflag:s18] =	ssyncset.done $0x0  }
0x81: {  	s28 =	simm.s32 $0x2800;
	s30 =	simm.s32 $0x6800;
	[sflag:s18] =	ssyncadd.s32 $0xFFFFFE00  }
0x82: {  	[tilespmem:s30], [sflag:$0x1] =	stream.indirect.gather [hbm4b:s3+s8], $0x1, s28, s8, $0xb8;
	[tilespmem:$0x8200] =	vst v63  }
0x83: {  	_ =	swait.ge [sflag:s18], $0x200  }
0x84: {  	[sflag:s18] =	ssyncset.done $0x0  }
0x85: {  	s28 =	simm.s32 $0x2A00;
	s30 =	simm.s32 $0x6A00;
	[sflag:s18] =	ssyncadd.s32 $0xFFFFFE00  }
0x86: {  	[tilespmem:s30], [sflag:$0x1] =	stream.indirect.gather [hbm4b:s3+s8], $0x1, s28, s8, $0xb8;
	[tilespmem:$0x8200] =	vst v63  }
0x87: {  	_ =	swait.ge [sflag:s18], $0x200  }
0x88: {  	[sflag:s18] =	ssyncset.done $0x0  }
0x89: {  	s28 =	simm.s32 $0x2C00;
	s30 =	simm.s32 $0x6C00;
	[sflag:s18] =	ssyncadd.s32 $0xFFFFFE00  }
0x8a: {  	[tilespmem:s30], [sflag:$0x1] =	stream.indirect.gather [hbm4b:s3+s8], $0x1, s28, s8, $0xb8;
	[tilespmem:$0x8200] =	vst v63  }
0x8b: {  	_ =	swait.ge [sflag:s18], $0x200  }
0x8c: {  	[sflag:s18] =	ssyncset.done $0x0  }
0x8d: {  	s30 =	simm.s32 $0x2E00;
	[sflag:s18] =	ssyncadd.s32 $0xFFFFFE00  }
0x8e: {  	[tilespmem:s31], [sflag:$0x1] =	stream.indirect.gather [hbm4b:s3+s8], $0x1, s30, s8, $0xb8;
	[tilespmem:$0x8200] =	vst v63  }
0x8f: {  	_ =	swait.ge [sflag:s18], $0x200  }
0x90: {  	[sflag:s18] =	ssyncset.done $0x0  }
0x91: {  	[sflag:s18] =	ssyncadd.s32 $0xFFFFFE00  }
0x92: {  	[tilespmem:s1], [sflag:$0x1] =	stream.indirect.gather [hbm4b:s3+s8], $0x1, s0, s8, $0xb8;
	[tilespmem:$0x8200] =	vst v63  }
0x93: {  	_ =	swait.ge [sflag:s18], $0x200  }
0x94: {  	[sflag:s18] =	ssyncset.done $0x0  }
0x95: {  	[sflag:s18] =	ssyncadd.s32 $0xFFFFFE00  }
0x96: {  	[tilespmem:s10], [sflag:$0x1] =	stream.indirect.gather [hbm4b:s3+s8], $0x1, s2, s8, $0xb8;
	[tilespmem:$0x8200] =	vst v63  }
0x97: {  	_ =	swait.ge [sflag:s18], $0x200  }
0x98: {  	[sflag:s18] =	ssyncset.done $0x0  }
0x99: {  	[sflag:s18] =	ssyncadd.s32 $0xFFFFFE00  }
0x9a: {  	[tilespmem:s12], [sflag:$0x1] =	stream.indirect.gather [hbm4b:s3+s8], $0x1, s11, s8, $0xb8;
	[tilespmem:$0x8200] =	vst v63  }
0x9b: {  	_ =	swait.ge [sflag:s18], $0x200  }
0x9c: {  	[sflag:s18] =	ssyncset.done $0x0  }
0x9d: {  	[sflag:s18] =	ssyncadd.s32 $0xFFFFFE00  }
0x9e: {  	[tilespmem:s14], [sflag:$0x1] =	stream.indirect.gather [hbm4b:s3+s8], $0x1, s13, s8, $0xb8;
	[tilespmem:$0x8200] =	vst v63  }
0x9f: {  	_ =	swait.ge [sflag:s18], $0x200  }
0xa0: {  	[sflag:s18] =	ssyncset.done $0x0  }
0xa1: {  	[sflag:s18] =	ssyncadd.s32 $0xFFFFFE00  }
0xa2: {  	[tilespmem:s16], [sflag:$0x1] =	stream.indirect.gather [hbm4b:s3+s8], $0x1, s15, s8, $0xb8;
	[tilespmem:$0x8200] =	vst v63  }
0xa3: {  	_ =	swait.ge [sflag:s18], $0x200  }
0xa4: {  	[sflag:s18] =	ssyncset.done $0x0  }
0xa5: {  	[sflag:s18] =	ssyncadd.s32 $0xFFFFFE00  }
0xa6: {  	[tilespmem:s19], [sflag:$0x1] =	stream.indirect.gather [hbm4b:s3+s8], $0x1, s17, s8, $0xb8;
	[tilespmem:$0x8200] =	vst v63  }
0xa7: {  	_ =	swait.ge [sflag:s18], $0x200  }
0xa8: {  	[sflag:s18] =	ssyncset.done $0x0  }
0xa9: {  	[sflag:s18] =	ssyncadd.s32 $0xFFFFFE00  }
0xaa: {  	[tilespmem:s21], [sflag:$0x1] =	stream.indirect.gather [hbm4b:s3+s8], $0x1, s20, s8, $0xb8;
	[tilespmem:$0x8200] =	vst v63  }
0xab: {  	_ =	swait.ge [sflag:s18], $0x200  }
0xac: {  	[sflag:s18] =	ssyncset.done $0x0  }
0xad: {  	[sflag:s18] =	ssyncadd.s32 $0xFFFFFE00  }
0xae: {  	[tilespmem:s23], [sflag:$0x1] =	stream.indirect.gather [hbm4b:s3+s8], $0x1, s22, s8, $0xb8;
	[tilespmem:$0x8200] =	vst v63  }
0xaf: {  	_ =	swait.ge [sflag:s18], $0x200  }
0xb0: {  	[sflag:s18] =	ssyncset.done $0x0  }
0xb1: {  	[sflag:s18] =	ssyncadd.s32 $0xFFFFFE00  }
0xb2: {  	[tilespmem:s25], [sflag:$0x1] =	stream.indirect.gather [hbm4b:s3+s8], $0x1, s24, s8, $0xb8;
	[tilespmem:$0x8200] =	vst v63  }
0xb3: {  	_ =	swait.ge [sflag:s18], $0x200  }
0xb4: {  	[sflag:s18] =	ssyncset.done $0x0  }
0xb5: {  	[sflag:s18] =	ssyncadd.s32 $0xFFFFFE00  }
0xb6: {  	_ =	swait.ge [sflag:s18], $0x200  }
0xb7: {  	[sflag:s18] =	ssyncset.done $0x0  }
0xb8: {  	[sflag:s18] =	ssyncadd.s32 $0xFFFFFE00  }
0xb9: {  	_ =	swait.ge [sflag:s18], $0x200  }
0xba: {  	[sflag:s18] =	ssyncset.done $0x0  }
0xbb: {  	[sflag:s18] =	ssyncadd.s32 $0xFFFFFE00  }
0xbc: {  	_ =	swait.ge [sflag:s18], $0x200  }
0xbd: {  	[sflag:s18] =	ssyncset.done $0x0  }
0xbe: {  	[sflag:s18] =	ssyncadd.s32 $0xFFFFFE00  }
0xbf: {  	_ =	swait.ge [sflag:s18], $0x200  }
0xc0: {  	[sflag:s18] =	ssyncset.done $0x0  }
0xc1: {  	[sflag:s18] =	ssyncadd.s32 $0xFFFFFE00  }
0xc2: {  	_ =	swait.ge [sflag:s18], $0x200  }
0xc3: {  	[sflag:s18] =	ssyncset.done $0x0  }
0xc4: {  	[sflag:s18] =	ssyncadd.s32 $0xFFFFFE00  }
0xc5: {  	_ =	swait.ge [sflag:s18], $0x200  }
0xc6: {  	[sflag:s18] =	ssyncset.done $0x0  }
0xc7: {  	[sflag:s18] =	ssyncadd.s32 $0xFFFFFE00  }
0xc8: {  	_ =	swait.ge [sflag:s18], $0x200  }
0xc9: {  	[sflag:s18] =	ssyncset.done $0x0  }
0xca: {  	[sflag:s18] =	ssyncadd.s32 $0xFFFFFE00  }
0xcb: {  	_ =	swait.ge [sflag:s18], $0x200  }
0xcc: {  	[sflag:s18] =	ssyncset.done $0x0  }
0xcd: {  	[sflag:s18] =	ssyncadd.s32 $0xFFFFFE00  }
0xce: {  	_ =	swait.ge [sflag:s18], $0x200  }
0xcf: {  	[sflag:s18] =	ssyncset.done $0x0  }
0xd0: {  	[sflag:s18] =	ssyncadd.s32 $0xFFFFFE00  }
0xd1: {  	_ =	swait.ge [sflag:s18], $0x200  }
0xd2: {  	[sflag:s18] =	ssyncset.done $0x0  }
0xd3: {  	[sflag:s18] =	ssyncadd.s32 $0xFFFFFE00  }
0xd4: {  	_ =	swait.ge [sflag:s18], $0x200  }
0xd5: {  	[sflag:s18] =	ssyncset.done $0x0  }
0xd6: {  	[sflag:s18] =	ssyncadd.s32 $0xFFFFFE00  }
0xd7: {  	_ =	swait.ge [sflag:s18], $0x200  }
0xd8: {  	[sflag:s18] =	ssyncset.done $0x0  }
0xd9: {  	[sflag:s18] =	ssyncadd.s32 $0xFFFFFE00  }
0xda: {  	_ =	swait.ge [sflag:s18], $0x200  }
0xdb: {  	[sflag:s18] =	ssyncset.done $0x0  }
0xdc: {  	[sflag:s18] =	ssyncadd.s32 $0xFFFFFE00  }
0xdd: {  	_ =	swait.ge [sflag:s18], $0x200  }
0xde: {  	[sflag:s18] =	ssyncset.done $0x0  }
0xdf: {  	[sflag:s18] =	ssyncadd.s32 $0xFFFFFE00  }
0xe0: {  	_ =	swait.ge [sflag:s18], $0x200  }
0xe1: {  	[sflag:s18] =	ssyncset.done $0x0  }
0xe2: {  	[sflag:s18] =	ssyncadd.s32 $0xFFFFFE00  }
0xe3: {  	s26 =	sadd.s32 $0x1, s26;
	_ =	swait.ge [sflag:s18], $0x200  }
0xe4: {  	p0 =	sne.s32 s26, s6;
	[sflag:s18] =	ssyncset.done $0x0  }
.Ltmp1:
0xe5: {  	[sflag:s18] =	ssyncadd.s32 $0xFFFFFE00;
	(pc) =	sbr.rel @p0 .LBB2_1-.Ltmp1, $4  }
0xe6: {  	[hbm4b:s5+s8] =	stream.strided.scatter [tilespmem:s9], [sflag:$0x2], $0x4000, s24, s8, $0x38;
	[tilespmem:$0x8200] =	vst v63  }
0xe7: {  	_ =	swait.ge [sflag:s7], $0x4000  }
0xe8: {  	[sflag:s7] =	ssyncset.done $0x0  }
0xe9: {  	[sflag:s7] =	ssyncadd.s32 $0xFFFFC000  }
0xea: {  	_ =	sfence.sel $0x180000  }
0xeb: {  	[bflag:$0x0] =	sbarrier.arrive $0xFFFF  }
0xec: {  	_ =	strace $0x90000047  }
0xed: {  	s0 =	stileid.u32;
	[bflag:$0x2] =	sbarrier.arrive $0xFFFF  }
0xee: {  	p0 =	sne.s32 s0, $0x0;
	s0 =	rddreg [dreg:$0x2]  }
0xef: {  	s0 =	sadd.s32 @!p0 $0x100000, s0  }
0xf0: {  	[sflag:s0] =	ssyncadd.tile.s32 @!p0 $0x1;
	_ =	shalt  }
.Lfunc_end2:
_tile_overlayer_lowered:
.L_overlay_start_2:
0xf1: {  	(tag) =	ssettag $0x2  }
0xf2: {  	s0 =	rddreg [dreg:$0x0];
	s2 =	stileid.u32  }
0xf3: {  	s1 =	rddreg [dreg:$0x1];
	p0 =	sne.s32 s2, $0x0  }
0xf4: {  	s3 =	rddreg [dreg:$0x2];
	[bflag:$0x3] =	sbarrier.arrive $0xFFFF;
	s2 =	simm.s32 @!p0 $0x1C02  }
0xf5: {  	[timem:s3], [sflag:s2] =	dma.local @!p0 [hbm:s0], s1  }
0xf6: {  	s0 =	simm.s32 @!p0 $0x2  }
0xf7: {  	_ =	swait.ge @!p0 [sflag:s0], s1  }
0xf8: {  	s1 =	ssub.s32 @!p0 $0x0, s1;
	[sflag:s0] =	ssyncset.done @!p0 $0x0  }
0xf9: {  	[sflag:s0] =	ssyncadd.s32 @!p0 s1  }
0xfa: {  	[bflag:$0x3] =	sbarrier.arrive $0xFFFF  }
0xfb: {  	_ =	shalt  }

</sc_bundles>
